<compile_context>
chip_gen: v7x
topology: tpu7x:2x2x1
jax: 0.10.2.dev20260603
libtpu: 0.0.44.dev20260713+nightly
codegen_flags: <defaults>
</compile_context>

<pallas_src>
import jax
import jax.numpy as jnp
from jax import lax
from jax.experimental import pallas as pl
from jax.experimental.pallas import tpu as pltpu
from jax.experimental.pallas import tpu_sc as plsc

_NC = 2
_NS = 16
_NW = _NC * _NS
_N = 10000
_E = 320000
_D = 128
_C = 80
_PER_TILE = _E // _NW
_NCHUNK = _PER_TILE // _C
_NACC = _N
_NBUF = 2

_RPT = 624
_TAIL_OFF = _RPT * _NS
_TAIL = _N - _TAIL_OFF

_mesh = plsc.VectorSubcoreMesh(core_axis_name="c", subcore_axis_name="s")


def _zero_acc(z128_hbm, acc_sh, sid):
    rb = sid * _RPT
    pltpu.sync_copy(z128_hbm.at[pl.ds(rb, _RPT)], acc_sh.at[pl.ds(rb, _RPT)])

    @pl.when(sid == 0)
    def _():
        pltpu.sync_copy(z128_hbm.at[pl.ds(_TAIL_OFF, _TAIL)],
                        acc_sh.at[pl.ds(_TAIL_OFF, _TAIL)])


def _drain_acc(acc_sh, out, cid, sid):
    rb = sid * _RPT
    pltpu.sync_copy(acc_sh.at[pl.ds(rb, _RPT)], out.at[cid, pl.ds(rb, _RPT)])

    @pl.when(sid == 0)
    def _():
        pltpu.sync_copy(acc_sh.at[pl.ds(_TAIL_OFF, _TAIL)],
                        out.at[cid, pl.ds(_TAIL_OFF, _TAIL)])


def _agg_pipeline(src_hbm, dst_hbm, table_hbm, base,
                  idx_s, idx_d, rows, gsems, ssems, acc_sh):

    def g_copy(b):
        return pltpu.make_async_copy(table_hbm.at[idx_s[b]],
                                     rows[b], gsems[b])

    def s_copy(b):
        return pltpu.make_async_copy(rows[b], acc_sh.at[idx_d[b]],
                                     ssems[b])

    def load_idx(j, b):
        off = base + j * _C
        pltpu.sync_copy(src_hbm.at[pl.ds(off, _C)], idx_s[b])
        pltpu.sync_copy(dst_hbm.at[pl.ds(off, _C)], idx_d[b])

    for b in range(_NBUF - 1):
        load_idx(b, b)
        g_copy(b).start()

    def body(jj, carry):
        for k in range(_NBUF):
            j = jj * _NBUF + k
            b = k
            bp = (k - 1) % _NBUF

            @pl.when(j < _NCHUNK)
            def _():
                @pl.when(j >= 1)
                def _():
                    s_copy(bp).wait()

                @pl.when(j + _NBUF - 1 < _NCHUNK)
                def _():
                    load_idx(j + _NBUF - 1, bp)

                g_copy(b).wait()
                s_copy(b).start(add=True)

                @pl.when(j + _NBUF - 1 < _NCHUNK)
                def _():
                    g_copy(bp).start()
        return carry

    lax.fori_loop(0, (_NCHUNK + _NBUF - 1) // _NBUF, body, 0)
    s_copy((_NCHUNK - 1) % _NBUF).wait()


def _deg_pipeline(dst_hbm, base, idx_d, ones_v, ssems, acc_sh):

    def s_copy(b):
        return pltpu.make_async_copy(ones_v, acc_sh.at[idx_d[b]],
                                     ssems[b])

    def load_idx(j, b):
        pltpu.sync_copy(dst_hbm.at[pl.ds(base + j * _C, _C)], idx_d[b])

    for b in range(_NBUF - 1):
        load_idx(b, b)

    def body(jj, carry):
        for k in range(_NBUF):
            j = jj * _NBUF + k
            b = k
            bp = (k - 1) % _NBUF

            @pl.when(j < _NCHUNK)
            def _():
                @pl.when(j >= 1)
                def _():
                    s_copy(bp).wait()

                @pl.when(j + _NBUF - 1 < _NCHUNK)
                def _():
                    load_idx(j + _NBUF - 1, bp)

                s_copy(b).start(add=True)
        return carry

    lax.fori_loop(0, (_NCHUNK + _NBUF - 1) // _NBUF, body, 0)
    s_copy((_NCHUNK - 1) % _NBUF).wait()


def _sc_agg_deg_body(src_hbm, dst_hbm, table_hbm, z128_hbm, ones_hbm,
                     acc_out, deg_out, *scr):
    cid = lax.axis_index("c")
    sid = lax.axis_index("s")
    wid = cid * _NS + sid
    base = wid * _PER_TILE
    idx_s = list(scr[0:_NBUF])
    idx_d = list(scr[_NBUF:2 * _NBUF])
    rows = list(scr[2 * _NBUF:3 * _NBUF])
    gsems = list(scr[3 * _NBUF:4 * _NBUF])
    ssems = list(scr[4 * _NBUF:5 * _NBUF])
    acc_sh = scr[5 * _NBUF]
    rows0 = rows[0]

    pltpu.sync_copy(ones_hbm, rows0)

    _zero_acc(z128_hbm, acc_sh, sid)
    plsc.subcore_barrier()
    _deg_pipeline(dst_hbm, base, idx_d, rows0, ssems, acc_sh)
    plsc.subcore_barrier()
    _drain_acc(acc_sh, deg_out, cid, sid)
    plsc.subcore_barrier()

    _zero_acc(z128_hbm, acc_sh, sid)
    plsc.subcore_barrier()
    _agg_pipeline(src_hbm, dst_hbm, table_hbm, base,
                  idx_s, idx_d, rows, gsems, ssems, acc_sh)
    plsc.subcore_barrier()
    _drain_acc(acc_sh, acc_out, cid, sid)


def _sc_agg_body(src_hbm, dst_hbm, table_hbm, z128_hbm, acc_out, *scr):
    cid = lax.axis_index("c")
    sid = lax.axis_index("s")
    wid = cid * _NS + sid
    base = wid * _PER_TILE
    idx_s = list(scr[0:_NBUF])
    idx_d = list(scr[_NBUF:2 * _NBUF])
    rows = list(scr[2 * _NBUF:3 * _NBUF])
    gsems = list(scr[3 * _NBUF:4 * _NBUF])
    ssems = list(scr[4 * _NBUF:5 * _NBUF])
    acc_sh = scr[5 * _NBUF]

    _zero_acc(z128_hbm, acc_sh, sid)
    plsc.subcore_barrier()
    _agg_pipeline(src_hbm, dst_hbm, table_hbm, base,
                  idx_s, idx_d, rows, gsems, ssems, acc_sh)
    plsc.subcore_barrier()
    _drain_acc(acc_sh, acc_out, cid, sid)


def _sc_scratch():
    return (
        [pltpu.VMEM((_C,), jnp.int32) for _ in range(2 * _NBUF)]
        + [pltpu.VMEM((_C, _D), jnp.float32) for _ in range(_NBUF)]
        + [pltpu.SemaphoreType.DMA for _ in range(2 * _NBUF)]
        + [pltpu.VMEM_SHARED((_NACC, _D), jnp.float32)]
    )


_sc_agg_deg = pl.kernel(
    _sc_agg_deg_body,
    mesh=_mesh,
    out_type=[
        jax.ShapeDtypeStruct((_NC, _N, _D), jnp.float32),
        jax.ShapeDtypeStruct((_NC, _N, _D), jnp.float32),
    ],
    scratch_types=_sc_scratch(),
)

_sc_agg = pl.kernel(
    _sc_agg_body,
    mesh=_mesh,
    out_type=[
        jax.ShapeDtypeStruct((_NC, _N, _D), jnp.float32),
    ],
    scratch_types=_sc_scratch(),
)

_R = 1000


def _tc_pre_body(x_ref, ws1_ref, b1_ref, xs_ref):
    xs_ref[...] = (jnp.dot(x_ref[...], ws1_ref[...],
                           preferred_element_type=jnp.float32) + b1_ref[...])


def _tc_mid_body(xs_ref, a0_ref, a1_ref, d0_ref, d1_ref,
                 wn1_ref, wn2_ref, p2_ref, h1_ref):
    deg = jnp.maximum(d0_ref[:, 0:1] + d1_ref[:, 0:1], 1.0)
    hn1 = (a0_ref[...] + a1_ref[...]) / deg
    h1 = jnp.maximum(
        xs_ref[...] + jnp.dot(hn1, wn1_ref[...],
                              preferred_element_type=jnp.float32), 0.0)
    h1_ref[...] = h1
    p2_ref[...] = jnp.dot(h1, wn2_ref[...], preferred_element_type=jnp.float32)


def _tc_post_body(h1_ref, ws2_ref, b2_ref, hs2_ref):
    hs2_ref[...] = (jnp.dot(h1_ref[...], ws2_ref[...],
                            preferred_element_type=jnp.float32) + b2_ref[...])


def _tc_fin_body(hs2_ref, a0_ref, a1_ref, d0_ref, d1_ref, o_ref):
    deg = jnp.maximum(d0_ref[:, 0:1] + d1_ref[:, 0:1], 1.0)
    o_ref[...] = hs2_ref[...] + (a0_ref[...] + a1_ref[...]) / deg


def _row_spec(w):
    return pl.BlockSpec((_R, w), lambda i: (i, 0))


def _full_spec(h, w):
    return pl.BlockSpec((h, w), lambda i: (0, 0))


_tc_pre = pl.pallas_call(
    _tc_pre_body,
    grid=(_N // _R,),
    in_specs=[_row_spec(128), _full_spec(128, 256), _full_spec(1, 256)],
    out_specs=_row_spec(256),
    out_shape=jax.ShapeDtypeStruct((_N, 256), jnp.float32),
)

_tc_mid = pl.pallas_call(
    _tc_mid_body,
    grid=(_N // _R,),
    in_specs=[
        _row_spec(256), _row_spec(128), _row_spec(128),
        _row_spec(128), _row_spec(128),
        _full_spec(128, 256), _full_spec(256, 128),
    ],
    out_specs=[_row_spec(128), _row_spec(256)],
    out_shape=[
        jax.ShapeDtypeStruct((_N, 128), jnp.float32),
        jax.ShapeDtypeStruct((_N, 256), jnp.float32),
    ],
)

_tc_post = pl.pallas_call(
    _tc_post_body,
    grid=(_N // _R,),
    in_specs=[_row_spec(256), _full_spec(256, 128), _full_spec(1, 128)],
    out_specs=_row_spec(128),
    out_shape=jax.ShapeDtypeStruct((_N, 128), jnp.float32),
)

_tc_fin = pl.pallas_call(
    _tc_fin_body,
    grid=(_N // _R,),
    in_specs=[
        _row_spec(128), _row_spec(128), _row_spec(128),
        _row_spec(128), _row_spec(128),
    ],
    out_specs=_row_spec(128),
    out_shape=jax.ShapeDtypeStruct((_N, 128), jnp.float32),
)


def kernel(in_feat, edge_index, W_self1, W_neigh1, b1, W_self2, W_neigh2, b2):
    src = edge_index[0].astype(jnp.int32)
    dst = edge_index[1].astype(jnp.int32)
    z128 = jnp.zeros((_N, _D), jnp.float32)
    ones = jnp.ones((_C, _D), jnp.float32)

    acc1, degp = _sc_agg_deg(src, dst, in_feat, z128, ones)
    xs = _tc_pre(in_feat, W_self1, b1.reshape(1, -1))
    p2, h1 = _tc_mid(xs, acc1[0], acc1[1], degp[0], degp[1],
                     W_neigh1, W_neigh2)
    (acc2,) = _sc_agg(src, dst, p2, z128)
    hs2 = _tc_post(h1, W_self2, b2.reshape(1, -1))
    return _tc_fin(hs2, acc2[0], acc2[1], degp[0], degp[1])

# --- scband reference (transcript-rebuilt; emitter-appended) ---
"""Pipeline reference for scband-graph-sage-64063732187136 (READ-ONLY COPY).

The authoritative reference and input builder live on the scoring server;
editing this copy changes nothing except your own understanding.
"""

import jax, jax.numpy as jnp
import numpy as np

N_NODES = 10000
N_EDGES = 320000
IN_FEATS = 128
H1 = 256
H2 = 128


def setup_inputs(seed: int = 0) -> dict:
    key = jax.random.key(seed)
    k_x, k_e, k1, k2, k3, k4 = jax.random.split(key, 6)
    x = jax.random.normal(k_x, (N_NODES, IN_FEATS), dtype=jnp.float32)
    edge_index = jax.random.randint(k_e, (2, N_EDGES), 0, N_NODES, dtype=jnp.int64)
    # SAGEConv (DGL-style 'mean'): fc_self (no bias) + fc_neigh (bias)
    s1 = 1.0 / np.sqrt(IN_FEATS)
    W_self1 = jax.random.uniform(k1, (IN_FEATS, H1), minval=-s1, maxval=s1, dtype=jnp.float32)
    W_neigh1 = jax.random.uniform(k2, (IN_FEATS, H1), minval=-s1, maxval=s1, dtype=jnp.float32)
    b1 = jnp.zeros((H1,), dtype=jnp.float32)
    s2 = 1.0 / np.sqrt(H1)
    W_self2 = jax.random.uniform(k3, (H1, H2), minval=-s2, maxval=s2, dtype=jnp.float32)
    W_neigh2 = jax.random.uniform(k4, (H1, H2), minval=-s2, maxval=s2, dtype=jnp.float32)
    b2 = jnp.zeros((H2,), dtype=jnp.float32)
    return {
        "in_feat": x,
        "edge_index": edge_index,
        "W_self1": W_self1,
        "W_neigh1": W_neigh1,
        "b1": b1,
        "W_self2": W_self2,
        "W_neigh2": W_neigh2,
        "b2": b2,
    }


def _sage_conv(h, src, dst, n_nodes, W_self, W_neigh, b):
    # mean aggregation over incoming neighbors
    msg = h[src]  # gather: [E, d]
    agg = jax.ops.segment_sum(msg, dst, num_segments=n_nodes)
    deg = jax.ops.segment_sum(jnp.ones((src.shape[0],), dtype=h.dtype), dst, num_segments=n_nodes)
    h_neigh = agg / jnp.maximum(deg, 1.0)[:, None]
    return h @ W_self + h_neigh @ W_neigh + b


def reference(in_feat, edge_index, W_self1, W_neigh1, b1, W_self2, W_neigh2, b2):
    src = edge_index[0]
    dst = edge_index[1]
    n_nodes = in_feat.shape[0]
    h = _sage_conv(in_feat, src, dst, n_nodes, W_self1, W_neigh1, b1)
    h = jax.nn.relu(h)
    h = _sage_conv(h, src, dst, n_nodes, W_self2, W_neigh2, b2)
    return h

if __name__ == "__main__":
    import jax
    _d = setup_inputs()
    print(jax.jit(kernel)(*tuple(_d.values())))

</pallas_src>

<mosaic_0001>
#map = affine_map<(d0, d1) -> (0)>
#map1 = affine_map<(d0, d1) -> (0, 0)>
#map2 = affine_map<(d0, d1) -> (0, 0, 0)>
module attributes {stable_mosaic.version = 14 : i64} {
  func.func @_sc_agg_deg_body(%arg0: i32, %arg1: i32, %arg2: memref<320000xi32, #tpu.memory_space<hbm>>, %arg3: memref<320000xi32, #tpu.memory_space<hbm>>, %arg4: memref<10000x128xf32, #tpu.memory_space<hbm>>, %arg5: memref<10000x128xf32, #tpu.memory_space<hbm>>, %arg6: memref<80x128xf32, #tpu.memory_space<hbm>>, %arg7: memref<2x10000x128xf32, #tpu.memory_space<hbm>>, %arg8: memref<2x10000x128xf32, #tpu.memory_space<hbm>>, %arg9: memref<80xi32, #tpu.memory_space<vmem>>, %arg10: memref<80xi32, #tpu.memory_space<vmem>>, %arg11: memref<80xi32, #tpu.memory_space<vmem>>, %arg12: memref<80xi32, #tpu.memory_space<vmem>>, %arg13: memref<80x128xf32, #tpu.memory_space<vmem>>, %arg14: memref<80x128xf32, #tpu.memory_space<vmem>>, %arg15: memref<!tpu.dma_semaphore, #tpu.memory_space<semaphore_mem>>, %arg16: memref<!tpu.dma_semaphore, #tpu.memory_space<semaphore_mem>>, %arg17: memref<!tpu.dma_semaphore, #tpu.memory_space<semaphore_mem>>, %arg18: memref<!tpu.dma_semaphore, #tpu.memory_space<semaphore_mem>>, %arg19: memref<10000x128xf32, #tpu.memory_space<vmem_shared>>) attributes {dimension_semantics = [#tpu.dimension_semantics<core_parallel>, #tpu.dimension_semantics<subcore_parallel>], iteration_bounds = array<i64: 2, 16>, scalar_prefetch = 0 : i64, scratch_operands = 11 : i64, tpu.core_type = #tpu.core_type<sc_vector_subcore>, window_params = [{transform_indices = #map}, {transform_indices = #map}, {transform_indices = #map1}, {transform_indices = #map1}, {transform_indices = #map1}, {transform_indices = #map2}, {transform_indices = #map2}]} {
    %mul3A = arith.constant 16 : i32
    %mul3A_0 = arith.muli %arg0, %mul3A : i32
    %add3A = arith.addi %mul3A_0, %arg1 : i32
    %mul3A_1 = arith.constant 10000 : i32
    %mul3A_2 = arith.muli %add3A, %mul3A_1 : i32
    "tpu.region"() ({
      %run_scoped3A = tpu.sem_alloc : memref<!tpu.dma_semaphore, #tpu.memory_space<semaphore_mem>>
      tpu.enqueue_dma source(%arg6 : memref<80x128xf32, #tpu.memory_space<hbm>>) target(%arg13 : memref<80x128xf32, #tpu.memory_space<vmem>>) target_semaphore(%run_scoped3A : memref<!tpu.dma_semaphore, #tpu.memory_space<semaphore_mem>>)
      tpu.wait_dma2 semaphore(%run_scoped3A : memref<!tpu.dma_semaphore, #tpu.memory_space<semaphore_mem>>) src(%arg6 : memref<80x128xf32, #tpu.memory_space<hbm>>) dst(%arg13 : memref<80x128xf32, #tpu.memory_space<vmem>>)
      tpu.yield
    }) : () -> ()
    %mul3A_3 = arith.constant 624 : i32
    %mul3A_4 = arith.muli %arg1, %mul3A_3 : i32
    "tpu.region"() ({
      %run_scoped3A = tpu.sem_alloc : memref<!tpu.dma_semaphore, #tpu.memory_space<semaphore_mem>>
      %dma_start3A_54 = arith.constant 0 : i32
      %dma_start3A_55 = tpu.memref_slice %arg19[%mul3A_4, %dma_start3A_54] : memref<10000x128xf32, #tpu.memory_space<vmem_shared>> -> memref<624x128xf32, #tpu.memory_space<vmem_shared>>
      %dma_start3A_56 = arith.constant 0 : i32
      %dma_start3A_57 = tpu.memref_slice %arg5[%mul3A_4, %dma_start3A_56] : memref<10000x128xf32, #tpu.memory_space<hbm>> -> memref<624x128xf32, #tpu.memory_space<hbm>>
      tpu.enqueue_dma source(%dma_start3A_57 : memref<624x128xf32, #tpu.memory_space<hbm>>) target(%dma_start3A_55 : memref<624x128xf32, #tpu.memory_space<vmem_shared>>) target_semaphore(%run_scoped3A : memref<!tpu.dma_semaphore, #tpu.memory_space<semaphore_mem>>)
      %dma_wait3A_58 = arith.constant 0 : i32
      %dma_wait3A_59 = tpu.memref_slice %arg19[%mul3A_4, %dma_wait3A_58] : memref<10000x128xf32, #tpu.memory_space<vmem_shared>> -> memref<624x128xf32, #tpu.memory_space<vmem_shared>>
      %dma_wait3A_60 = arith.constant 0 : i32
      %dma_wait3A_61 = tpu.memref_slice %arg5[%mul3A_4, %dma_wait3A_60] : memref<10000x128xf32, #tpu.memory_space<hbm>> -> memref<624x128xf32, #tpu.memory_space<hbm>>
      tpu.wait_dma2 semaphore(%run_scoped3A : memref<!tpu.dma_semaphore, #tpu.memory_space<semaphore_mem>>) src(%dma_wait3A_61 : memref<624x128xf32, #tpu.memory_space<hbm>>) dst(%dma_wait3A_59 : memref<624x128xf32, #tpu.memory_space<vmem_shared>>)
      tpu.yield
    }) : () -> ()
    %eq3A = arith.constant 0 : i32
    %eq3A_5 = arith.cmpi eq, %arg1, %eq3A : i32
    %convert_element_type3A = arith.extui %eq3A_5 : i1 to i32
    %cond3A = arith.constant 0 : i32
    %cond3A_6 = arith.cmpi ne, %convert_element_type3A, %cond3A : i32
    scf.if %cond3A_6 {
      "tpu.region"() ({
        %run_scoped3A = tpu.sem_alloc : memref<!tpu.dma_semaphore, #tpu.memory_space<semaphore_mem>>
        %dma_start3A_54 = arith.constant 9984 : i32
        %dma_start3A_55 = arith.constant 0 : i32
        %dma_start3A_56 = tpu.memref_slice %arg19[%dma_start3A_54, %dma_start3A_55] : memref<10000x128xf32, #tpu.memory_space<vmem_shared>> -> memref<16x128xf32, #tpu.memory_space<vmem_shared>>
        %dma_start3A_57 = arith.constant 9984 : i32
        %dma_start3A_58 = arith.constant 0 : i32
        %dma_start3A_59 = tpu.memref_slice %arg5[%dma_start3A_57, %dma_start3A_58] : memref<10000x128xf32, #tpu.memory_space<hbm>> -> memref<16x128xf32, #tpu.memory_space<hbm>>
        tpu.enqueue_dma source(%dma_start3A_59 : memref<16x128xf32, #tpu.memory_space<hbm>>) target(%dma_start3A_56 : memref<16x128xf32, #tpu.memory_space<vmem_shared>>) target_semaphore(%run_scoped3A : memref<!tpu.dma_semaphore, #tpu.memory_space<semaphore_mem>>)
        %dma_wait3A_60 = arith.constant 9984 : i32
        %dma_wait3A_61 = arith.constant 0 : i32
        %dma_wait3A_62 = tpu.memref_slice %arg19[%dma_wait3A_60, %dma_wait3A_61] : memref<10000x128xf32, #tpu.memory_space<vmem_shared>> -> memref<16x128xf32, #tpu.memory_space<vmem_shared>>
        %dma_wait3A_63 = arith.constant 9984 : i32
        %dma_wait3A_64 = arith.constant 0 : i32
        %dma_wait3A_65 = tpu.memref_slice %arg5[%dma_wait3A_63, %dma_wait3A_64] : memref<10000x128xf32, #tpu.memory_space<hbm>> -> memref<16x128xf32, #tpu.memory_space<hbm>>
        tpu.wait_dma2 semaphore(%run_scoped3A : memref<!tpu.dma_semaphore, #tpu.memory_space<semaphore_mem>>) src(%dma_wait3A_65 : memref<16x128xf32, #tpu.memory_space<hbm>>) dst(%dma_wait3A_62 : memref<16x128xf32, #tpu.memory_space<vmem_shared>>)
        tpu.yield
      }) : () -> ()
    } else {
    }
    %barrier3A = arith.constant 0 : index
    tpu.barrier barrier_id(%barrier3A)
    %add3A_7 = arith.constant 0 : i32
    %add3A_8 = arith.addi %mul3A_2, %add3A_7 : i32
    "tpu.region"() ({
      %run_scoped3A = tpu.sem_alloc : memref<!tpu.dma_semaphore, #tpu.memory_space<semaphore_mem>>
      %dma_start3A_54 = tpu.memref_slice %arg3[%add3A_8] : memref<320000xi32, #tpu.memory_space<hbm>> -> memref<80xi32, #tpu.memory_space<hbm>>
      %dma_start3A_55 = tpu.memref_slice %arg3[%add3A_8] : memref<320000xi32, #tpu.memory_space<hbm>> -> memref<80xi32, #tpu.memory_space<hbm>>
      tpu.enqueue_dma source(%dma_start3A_55 : memref<80xi32, #tpu.memory_space<hbm>>) target(%arg11 : memref<80xi32, #tpu.memory_space<vmem>>) target_semaphore(%run_scoped3A : memref<!tpu.dma_semaphore, #tpu.memory_space<semaphore_mem>>)
      %dma_wait3A_56 = tpu.memref_slice %arg3[%add3A_8] : memref<320000xi32, #tpu.memory_space<hbm>> -> memref<80xi32, #tpu.memory_space<hbm>>
      %dma_wait3A_57 = tpu.memref_slice %arg3[%add3A_8] : memref<320000xi32, #tpu.memory_space<hbm>> -> memref<80xi32, #tpu.memory_space<hbm>>
      tpu.wait_dma2 semaphore(%run_scoped3A : memref<!tpu.dma_semaphore, #tpu.memory_space<semaphore_mem>>) src(%dma_wait3A_57 : memref<80xi32, #tpu.memory_space<hbm>>) dst(%arg11 : memref<80xi32, #tpu.memory_space<vmem>>)
      tpu.yield
    }) : () -> ()
    %scan3A = arith.constant 0 : i32
    %scan3A_9 = arith.constant 0 : i32
    %scan3A_10 = arith.constant 63 : i32
    %scan3A_11 = arith.addi %scan3A_9, %scan3A_10 : i32
    %scan3A_12 = arith.constant 1 : i32
    scf.for %scan3A_54 = %scan3A_9 to %scan3A_11 step %scan3A_12  : i32 {
      %mul3A_55 = arith.constant 2 : i32
      %mul3A_56 = arith.muli %scan3A_54, %mul3A_55 : i32
      %add3A_57 = arith.constant 0 : i32
      %add3A_58 = arith.addi %mul3A_56, %add3A_57 : i32
      %lt3A = arith.constant 125 : i32
      %lt3A_59 = arith.cmpi slt, %add3A_58, %lt3A : i32
      %convert_element_type3A_60 = arith.extui %lt3A_59 : i1 to i32
      %cond3A_61 = arith.constant 0 : i32
      %cond3A_62 = arith.cmpi ne, %convert_element_type3A_60, %cond3A_61 : i32
      scf.if %cond3A_62 {
        %ge3A = arith.constant 1 : i32
        %ge3A_72 = arith.cmpi sge, %add3A_58, %ge3A : i32
        %convert_element_type3A_73 = arith.extui %ge3A_72 : i1 to i32
        %cond3A_74 = arith.constant 0 : i32
        %cond3A_75 = arith.cmpi ne, %convert_element_type3A_73, %cond3A_74 : i32
        scf.if %cond3A_75 {
          %dma_wait3A_87 = arith.constant 0 : i32
          %dma_wait3A_88 = arith.constant 0 : i32
          %dma_wait3A_89 = tpu.memref_slice %arg19[%dma_wait3A_87, %dma_wait3A_88] : memref<10000x128xf32, #tpu.memory_space<vmem_shared>> -> memref<10000x128xf32, #tpu.memory_space<vmem_shared>>
          tpu.wait_indirect_dma semaphore(%arg18 : memref<!tpu.dma_semaphore, #tpu.memory_space<semaphore_mem>>) src(%arg13 : memref<80x128xf32, #tpu.memory_space<vmem>>) dst(%dma_wait3A_89 : memref<10000x128xf32, #tpu.memory_space<vmem_shared>>)
        } else {
        }
        %add3A_76 = arith.constant 2 : i32
        %add3A_77 = arith.addi %add3A_58, %add3A_76 : i32
        %sub3A = arith.constant 1 : i32
        %sub3A_78 = arith.subi %add3A_77, %sub3A : i32
        %lt3A_79 = arith.constant 125 : i32
        %lt3A_80 = arith.cmpi slt, %sub3A_78, %lt3A_79 : i32
        %convert_element_type3A_81 = arith.extui %lt3A_80 : i1 to i32
        %cond3A_82 = arith.constant 0 : i32
        %cond3A_83 = arith.cmpi ne, %convert_element_type3A_81, %cond3A_82 : i32
        scf.if %cond3A_83 {
          %add3A_87 = arith.constant 2 : i32
          %add3A_88 = arith.addi %add3A_58, %add3A_87 : i32
          %sub3A_89 = arith.constant 1 : i32
          %sub3A_90 = arith.subi %add3A_88, %sub3A_89 : i32
          %mul3A_91 = arith.constant 80 : i32
          %mul3A_92 = arith.muli %sub3A_90, %mul3A_91 : i32
          %add3A_93 = arith.addi %mul3A_2, %mul3A_92 : i32
          "tpu.region"() ({
            %run_scoped3A = tpu.sem_alloc : memref<!tpu.dma_semaphore, #tpu.memory_space<semaphore_mem>>
            %dma_start3A_94 = tpu.memref_slice %arg3[%add3A_93] : memref<320000xi32, #tpu.memory_space<hbm>> -> memref<80xi32, #tpu.memory_space<hbm>>
            %dma_start3A_95 = tpu.memref_slice %arg3[%add3A_93] : memref<320000xi32, #tpu.memory_space<hbm>> -> memref<80xi32, #tpu.memory_space<hbm>>
            tpu.enqueue_dma source(%dma_start3A_95 : memref<80xi32, #tpu.memory_space<hbm>>) target(%arg12 : memref<80xi32, #tpu.memory_space<vmem>>) target_semaphore(%run_scoped3A : memref<!tpu.dma_semaphore, #tpu.memory_space<semaphore_mem>>)
            %dma_wait3A_96 = tpu.memref_slice %arg3[%add3A_93] : memref<320000xi32, #tpu.memory_space<hbm>> -> memref<80xi32, #tpu.memory_space<hbm>>
            %dma_wait3A_97 = tpu.memref_slice %arg3[%add3A_93] : memref<320000xi32, #tpu.memory_space<hbm>> -> memref<80xi32, #tpu.memory_space<hbm>>
            tpu.wait_dma2 semaphore(%run_scoped3A : memref<!tpu.dma_semaphore, #tpu.memory_space<semaphore_mem>>) src(%dma_wait3A_97 : memref<80xi32, #tpu.memory_space<hbm>>) dst(%arg12 : memref<80xi32, #tpu.memory_space<vmem>>)
            tpu.yield
          }) : () -> ()
        } else {
        }
        %dma_start3A_84 = arith.constant 0 : i32
        %dma_start3A_85 = arith.constant 0 : i32
        %dma_start3A_86 = tpu.memref_slice %arg19[%dma_start3A_84, %dma_start3A_85] : memref<10000x128xf32, #tpu.memory_space<vmem_shared>> -> memref<10000x128xf32, #tpu.memory_space<vmem_shared>>
        tpu.enqueue_indirect_dma source(%arg13 : memref<80x128xf32, #tpu.memory_space<vmem>>) target(%dma_start3A_86 : memref<10000x128xf32, #tpu.memory_space<vmem_shared>>) offsets(%arg11 : memref<80xi32, #tpu.memory_space<vmem>>) semaphore(%arg17 : memref<!tpu.dma_semaphore, #tpu.memory_space<semaphore_mem>>) {add = true}
      } else {
      }
      %mul3A_63 = arith.constant 2 : i32
      %mul3A_64 = arith.muli %scan3A_54, %mul3A_63 : i32
      %add3A_65 = arith.constant 1 : i32
      %add3A_66 = arith.addi %mul3A_64, %add3A_65 : i32
      %lt3A_67 = arith.constant 125 : i32
      %lt3A_68 = arith.cmpi slt, %add3A_66, %lt3A_67 : i32
      %convert_element_type3A_69 = arith.extui %lt3A_68 : i1 to i32
      %cond3A_70 = arith.constant 0 : i32
      %cond3A_71 = arith.cmpi ne, %convert_element_type3A_69, %cond3A_70 : i32
      scf.if %cond3A_71 {
        %ge3A = arith.constant 1 : i32
        %ge3A_72 = arith.cmpi sge, %add3A_66, %ge3A : i32
        %convert_element_type3A_73 = arith.extui %ge3A_72 : i1 to i32
        %cond3A_74 = arith.constant 0 : i32
        %cond3A_75 = arith.cmpi ne, %convert_element_type3A_73, %cond3A_74 : i32
        scf.if %cond3A_75 {
          %dma_wait3A_87 = arith.constant 0 : i32
          %dma_wait3A_88 = arith.constant 0 : i32
          %dma_wait3A_89 = tpu.memref_slice %arg19[%dma_wait3A_87, %dma_wait3A_88] : memref<10000x128xf32, #tpu.memory_space<vmem_shared>> -> memref<10000x128xf32, #tpu.memory_space<vmem_shared>>
          tpu.wait_indirect_dma semaphore(%arg17 : memref<!tpu.dma_semaphore, #tpu.memory_space<semaphore_mem>>) src(%arg13 : memref<80x128xf32, #tpu.memory_space<vmem>>) dst(%dma_wait3A_89 : memref<10000x128xf32, #tpu.memory_space<vmem_shared>>)
        } else {
        }
        %add3A_76 = arith.constant 2 : i32
        %add3A_77 = arith.addi %add3A_66, %add3A_76 : i32
        %sub3A = arith.constant 1 : i32
        %sub3A_78 = arith.subi %add3A_77, %sub3A : i32
        %lt3A_79 = arith.constant 125 : i32
        %lt3A_80 = arith.cmpi slt, %sub3A_78, %lt3A_79 : i32
        %convert_element_type3A_81 = arith.extui %lt3A_80 : i1 to i32
        %cond3A_82 = arith.constant 0 : i32
        %cond3A_83 = arith.cmpi ne, %convert_element_type3A_81, %cond3A_82 : i32
        scf.if %cond3A_83 {
          %add3A_87 = arith.constant 2 : i32
          %add3A_88 = arith.addi %add3A_66, %add3A_87 : i32
          %sub3A_89 = arith.constant 1 : i32
          %sub3A_90 = arith.subi %add3A_88, %sub3A_89 : i32
          %mul3A_91 = arith.constant 80 : i32
          %mul3A_92 = arith.muli %sub3A_90, %mul3A_91 : i32
          %add3A_93 = arith.addi %mul3A_2, %mul3A_92 : i32
          "tpu.region"() ({
            %run_scoped3A = tpu.sem_alloc : memref<!tpu.dma_semaphore, #tpu.memory_space<semaphore_mem>>
            %dma_start3A_94 = tpu.memref_slice %arg3[%add3A_93] : memref<320000xi32, #tpu.memory_space<hbm>> -> memref<80xi32, #tpu.memory_space<hbm>>
            %dma_start3A_95 = tpu.memref_slice %arg3[%add3A_93] : memref<320000xi32, #tpu.memory_space<hbm>> -> memref<80xi32, #tpu.memory_space<hbm>>
            tpu.enqueue_dma source(%dma_start3A_95 : memref<80xi32, #tpu.memory_space<hbm>>) target(%arg11 : memref<80xi32, #tpu.memory_space<vmem>>) target_semaphore(%run_scoped3A : memref<!tpu.dma_semaphore, #tpu.memory_space<semaphore_mem>>)
            %dma_wait3A_96 = tpu.memref_slice %arg3[%add3A_93] : memref<320000xi32, #tpu.memory_space<hbm>> -> memref<80xi32, #tpu.memory_space<hbm>>
            %dma_wait3A_97 = tpu.memref_slice %arg3[%add3A_93] : memref<320000xi32, #tpu.memory_space<hbm>> -> memref<80xi32, #tpu.memory_space<hbm>>
            tpu.wait_dma2 semaphore(%run_scoped3A : memref<!tpu.dma_semaphore, #tpu.memory_space<semaphore_mem>>) src(%dma_wait3A_97 : memref<80xi32, #tpu.memory_space<hbm>>) dst(%arg11 : memref<80xi32, #tpu.memory_space<vmem>>)
            tpu.yield
          }) : () -> ()
        } else {
        }
        %dma_start3A_84 = arith.constant 0 : i32
        %dma_start3A_85 = arith.constant 0 : i32
        %dma_start3A_86 = tpu.memref_slice %arg19[%dma_start3A_84, %dma_start3A_85] : memref<10000x128xf32, #tpu.memory_space<vmem_shared>> -> memref<10000x128xf32, #tpu.memory_space<vmem_shared>>
        tpu.enqueue_indirect_dma source(%arg13 : memref<80x128xf32, #tpu.memory_space<vmem>>) target(%dma_start3A_86 : memref<10000x128xf32, #tpu.memory_space<vmem_shared>>) offsets(%arg12 : memref<80xi32, #tpu.memory_space<vmem>>) semaphore(%arg18 : memref<!tpu.dma_semaphore, #tpu.memory_space<semaphore_mem>>) {add = true}
      } else {
      }
    }
    %scan3A_13 = arith.constant 63 : i32
    %dma_wait3A = arith.constant 0 : i32
    %dma_wait3A_14 = arith.constant 0 : i32
    %dma_wait3A_15 = tpu.memref_slice %arg19[%dma_wait3A, %dma_wait3A_14] : memref<10000x128xf32, #tpu.memory_space<vmem_shared>> -> memref<10000x128xf32, #tpu.memory_space<vmem_shared>>
    tpu.wait_indirect_dma semaphore(%arg17 : memref<!tpu.dma_semaphore, #tpu.memory_space<semaphore_mem>>) src(%arg13 : memref<80x128xf32, #tpu.memory_space<vmem>>) dst(%dma_wait3A_15 : memref<10000x128xf32, #tpu.memory_space<vmem_shared>>)
    %barrier3A_16 = arith.constant 0 : index
    tpu.barrier barrier_id(%barrier3A_16)
    %mul3A_17 = arith.constant 624 : i32
    %mul3A_18 = arith.muli %arg1, %mul3A_17 : i32
    "tpu.region"() ({
      %run_scoped3A = tpu.sem_alloc : memref<!tpu.dma_semaphore, #tpu.memory_space<semaphore_mem>>
      %dma_start3A_54 = arith.constant 0 : i32
      %dma_start3A_55 = tpu.memref_slice %arg8[%arg0, %mul3A_18, %dma_start3A_54] : memref<2x10000x128xf32, #tpu.memory_space<hbm>> -> memref<1x624x128xf32, #tpu.memory_space<hbm>>
      %dma_start3A_56 = tpu.memref_squeeze %dma_start3A_55 : memref<1x624x128xf32, #tpu.memory_space<hbm>> -> memref<624x128xf32, #tpu.memory_space<hbm>>
      %dma_start3A_57 = arith.constant 0 : i32
      %dma_start3A_58 = tpu.memref_slice %arg19[%mul3A_18, %dma_start3A_57] : memref<10000x128xf32, #tpu.memory_space<vmem_shared>> -> memref<624x128xf32, #tpu.memory_space<vmem_shared>>
      tpu.enqueue_dma source(%dma_start3A_58 : memref<624x128xf32, #tpu.memory_space<vmem_shared>>) target(%dma_start3A_56 : memref<624x128xf32, #tpu.memory_space<hbm>>) target_semaphore(%run_scoped3A : memref<!tpu.dma_semaphore, #tpu.memory_space<semaphore_mem>>)
      %dma_wait3A_59 = arith.constant 0 : i32
      %dma_wait3A_60 = tpu.memref_slice %arg8[%arg0, %mul3A_18, %dma_wait3A_59] : memref<2x10000x128xf32, #tpu.memory_space<hbm>> -> memref<1x624x128xf32, #tpu.memory_space<hbm>>
      %dma_wait3A_61 = tpu.memref_squeeze %dma_wait3A_60 : memref<1x624x128xf32, #tpu.memory_space<hbm>> -> memref<624x128xf32, #tpu.memory_space<hbm>>
      %dma_wait3A_62 = arith.constant 0 : i32
      %dma_wait3A_63 = tpu.memref_slice %arg19[%mul3A_18, %dma_wait3A_62] : memref<10000x128xf32, #tpu.memory_space<vmem_shared>> -> memref<624x128xf32, #tpu.memory_space<vmem_shared>>
      tpu.wait_dma2 semaphore(%run_scoped3A : memref<!tpu.dma_semaphore, #tpu.memory_space<semaphore_mem>>) src(%dma_wait3A_63 : memref<624x128xf32, #tpu.memory_space<vmem_shared>>) dst(%dma_wait3A_61 : memref<624x128xf32, #tpu.memory_space<hbm>>)
      tpu.yield
    }) : () -> ()
    %eq3A_19 = arith.constant 0 : i32
    %eq3A_20 = arith.cmpi eq, %arg1, %eq3A_19 : i32
    %convert_element_type3A_21 = arith.extui %eq3A_20 : i1 to i32
    %cond3A_22 = arith.constant 0 : i32
    %cond3A_23 = arith.cmpi ne, %convert_element_type3A_21, %cond3A_22 : i32
    scf.if %cond3A_23 {
      "tpu.region"() ({
        %run_scoped3A = tpu.sem_alloc : memref<!tpu.dma_semaphore, #tpu.memory_space<semaphore_mem>>
        %dma_start3A_54 = arith.constant 9984 : i32
        %dma_start3A_55 = arith.constant 0 : i32
        %dma_start3A_56 = tpu.memref_slice %arg8[%arg0, %dma_start3A_54, %dma_start3A_55] : memref<2x10000x128xf32, #tpu.memory_space<hbm>> -> memref<1x16x128xf32, #tpu.memory_space<hbm>>
        %dma_start3A_57 = tpu.memref_squeeze %dma_start3A_56 : memref<1x16x128xf32, #tpu.memory_space<hbm>> -> memref<16x128xf32, #tpu.memory_space<hbm>>
        %dma_start3A_58 = arith.constant 9984 : i32
        %dma_start3A_59 = arith.constant 0 : i32
        %dma_start3A_60 = tpu.memref_slice %arg19[%dma_start3A_58, %dma_start3A_59] : memref<10000x128xf32, #tpu.memory_space<vmem_shared>> -> memref<16x128xf32, #tpu.memory_space<vmem_shared>>
        tpu.enqueue_dma source(%dma_start3A_60 : memref<16x128xf32, #tpu.memory_space<vmem_shared>>) target(%dma_start3A_57 : memref<16x128xf32, #tpu.memory_space<hbm>>) target_semaphore(%run_scoped3A : memref<!tpu.dma_semaphore, #tpu.memory_space<semaphore_mem>>)
        %dma_wait3A_61 = arith.constant 9984 : i32
        %dma_wait3A_62 = arith.constant 0 : i32
        %dma_wait3A_63 = tpu.memref_slice %arg8[%arg0, %dma_wait3A_61, %dma_wait3A_62] : memref<2x10000x128xf32, #tpu.memory_space<hbm>> -> memref<1x16x128xf32, #tpu.memory_space<hbm>>
        %dma_wait3A_64 = tpu.memref_squeeze %dma_wait3A_63 : memref<1x16x128xf32, #tpu.memory_space<hbm>> -> memref<16x128xf32, #tpu.memory_space<hbm>>
        %dma_wait3A_65 = arith.constant 9984 : i32
        %dma_wait3A_66 = arith.constant 0 : i32
        %dma_wait3A_67 = tpu.memref_slice %arg19[%dma_wait3A_65, %dma_wait3A_66] : memref<10000x128xf32, #tpu.memory_space<vmem_shared>> -> memref<16x128xf32, #tpu.memory_space<vmem_shared>>
        tpu.wait_dma2 semaphore(%run_scoped3A : memref<!tpu.dma_semaphore, #tpu.memory_space<semaphore_mem>>) src(%dma_wait3A_67 : memref<16x128xf32, #tpu.memory_space<vmem_shared>>) dst(%dma_wait3A_64 : memref<16x128xf32, #tpu.memory_space<hbm>>)
        tpu.yield
      }) : () -> ()
    } else {
    }
    %barrier3A_24 = arith.constant 0 : index
    tpu.barrier barrier_id(%barrier3A_24)
    %mul3A_25 = arith.constant 624 : i32
    %mul3A_26 = arith.muli %arg1, %mul3A_25 : i32
    "tpu.region"() ({
      %run_scoped3A = tpu.sem_alloc : memref<!tpu.dma_semaphore, #tpu.memory_space<semaphore_mem>>
      %dma_start3A_54 = arith.constant 0 : i32
      %dma_start3A_55 = tpu.memref_slice %arg19[%mul3A_26, %dma_start3A_54] : memref<10000x128xf32, #tpu.memory_space<vmem_shared>> -> memref<624x128xf32, #tpu.memory_space<vmem_shared>>
      %dma_start3A_56 = arith.constant 0 : i32
      %dma_start3A_57 = tpu.memref_slice %arg5[%mul3A_26, %dma_start3A_56] : memref<10000x128xf32, #tpu.memory_space<hbm>> -> memref<624x128xf32, #tpu.memory_space<hbm>>
      tpu.enqueue_dma source(%dma_start3A_57 : memref<624x128xf32, #tpu.memory_space<hbm>>) target(%dma_start3A_55 : memref<624x128xf32, #tpu.memory_space<vmem_shared>>) target_semaphore(%run_scoped3A : memref<!tpu.dma_semaphore, #tpu.memory_space<semaphore_mem>>)
      %dma_wait3A_58 = arith.constant 0 : i32
      %dma_wait3A_59 = tpu.memref_slice %arg19[%mul3A_26, %dma_wait3A_58] : memref<10000x128xf32, #tpu.memory_space<vmem_shared>> -> memref<624x128xf32, #tpu.memory_space<vmem_shared>>
      %dma_wait3A_60 = arith.constant 0 : i32
      %dma_wait3A_61 = tpu.memref_slice %arg5[%mul3A_26, %dma_wait3A_60] : memref<10000x128xf32, #tpu.memory_space<hbm>> -> memref<624x128xf32, #tpu.memory_space<hbm>>
      tpu.wait_dma2 semaphore(%run_scoped3A : memref<!tpu.dma_semaphore, #tpu.memory_space<semaphore_mem>>) src(%dma_wait3A_61 : memref<624x128xf32, #tpu.memory_space<hbm>>) dst(%dma_wait3A_59 : memref<624x128xf32, #tpu.memory_space<vmem_shared>>)
      tpu.yield
    }) : () -> ()
    %eq3A_27 = arith.constant 0 : i32
    %eq3A_28 = arith.cmpi eq, %arg1, %eq3A_27 : i32
    %convert_element_type3A_29 = arith.extui %eq3A_28 : i1 to i32
    %cond3A_30 = arith.constant 0 : i32
    %cond3A_31 = arith.cmpi ne, %convert_element_type3A_29, %cond3A_30 : i32
    scf.if %cond3A_31 {
      "tpu.region"() ({
        %run_scoped3A = tpu.sem_alloc : memref<!tpu.dma_semaphore, #tpu.memory_space<semaphore_mem>>
        %dma_start3A_54 = arith.constant 9984 : i32
        %dma_start3A_55 = arith.constant 0 : i32
        %dma_start3A_56 = tpu.memref_slice %arg19[%dma_start3A_54, %dma_start3A_55] : memref<10000x128xf32, #tpu.memory_space<vmem_shared>> -> memref<16x128xf32, #tpu.memory_space<vmem_shared>>
        %dma_start3A_57 = arith.constant 9984 : i32
        %dma_start3A_58 = arith.constant 0 : i32
        %dma_start3A_59 = tpu.memref_slice %arg5[%dma_start3A_57, %dma_start3A_58] : memref<10000x128xf32, #tpu.memory_space<hbm>> -> memref<16x128xf32, #tpu.memory_space<hbm>>
        tpu.enqueue_dma source(%dma_start3A_59 : memref<16x128xf32, #tpu.memory_space<hbm>>) target(%dma_start3A_56 : memref<16x128xf32, #tpu.memory_space<vmem_shared>>) target_semaphore(%run_scoped3A : memref<!tpu.dma_semaphore, #tpu.memory_space<semaphore_mem>>)
        %dma_wait3A_60 = arith.constant 9984 : i32
        %dma_wait3A_61 = arith.constant 0 : i32
        %dma_wait3A_62 = tpu.memref_slice %arg19[%dma_wait3A_60, %dma_wait3A_61] : memref<10000x128xf32, #tpu.memory_space<vmem_shared>> -> memref<16x128xf32, #tpu.memory_space<vmem_shared>>
        %dma_wait3A_63 = arith.constant 9984 : i32
        %dma_wait3A_64 = arith.constant 0 : i32
        %dma_wait3A_65 = tpu.memref_slice %arg5[%dma_wait3A_63, %dma_wait3A_64] : memref<10000x128xf32, #tpu.memory_space<hbm>> -> memref<16x128xf32, #tpu.memory_space<hbm>>
        tpu.wait_dma2 semaphore(%run_scoped3A : memref<!tpu.dma_semaphore, #tpu.memory_space<semaphore_mem>>) src(%dma_wait3A_65 : memref<16x128xf32, #tpu.memory_space<hbm>>) dst(%dma_wait3A_62 : memref<16x128xf32, #tpu.memory_space<vmem_shared>>)
        tpu.yield
      }) : () -> ()
    } else {
    }
    %barrier3A_32 = arith.constant 0 : index
    tpu.barrier barrier_id(%barrier3A_32)
    %add3A_33 = arith.constant 0 : i32
    %add3A_34 = arith.addi %mul3A_2, %add3A_33 : i32
    "tpu.region"() ({
      %run_scoped3A = tpu.sem_alloc : memref<!tpu.dma_semaphore, #tpu.memory_space<semaphore_mem>>
      %dma_start3A_54 = tpu.memref_slice %arg2[%add3A_34] : memref<320000xi32, #tpu.memory_space<hbm>> -> memref<80xi32, #tpu.memory_space<hbm>>
      %dma_start3A_55 = tpu.memref_slice %arg2[%add3A_34] : memref<320000xi32, #tpu.memory_space<hbm>> -> memref<80xi32, #tpu.memory_space<hbm>>
      tpu.enqueue_dma source(%dma_start3A_55 : memref<80xi32, #tpu.memory_space<hbm>>) target(%arg9 : memref<80xi32, #tpu.memory_space<vmem>>) target_semaphore(%run_scoped3A : memref<!tpu.dma_semaphore, #tpu.memory_space<semaphore_mem>>)
      %dma_wait3A_56 = tpu.memref_slice %arg2[%add3A_34] : memref<320000xi32, #tpu.memory_space<hbm>> -> memref<80xi32, #tpu.memory_space<hbm>>
      %dma_wait3A_57 = tpu.memref_slice %arg2[%add3A_34] : memref<320000xi32, #tpu.memory_space<hbm>> -> memref<80xi32, #tpu.memory_space<hbm>>
      tpu.wait_dma2 semaphore(%run_scoped3A : memref<!tpu.dma_semaphore, #tpu.memory_space<semaphore_mem>>) src(%dma_wait3A_57 : memref<80xi32, #tpu.memory_space<hbm>>) dst(%arg9 : memref<80xi32, #tpu.memory_space<vmem>>)
      tpu.yield
    }) : () -> ()
    "tpu.region"() ({
      %run_scoped3A = tpu.sem_alloc : memref<!tpu.dma_semaphore, #tpu.memory_space<semaphore_mem>>
      %dma_start3A_54 = tpu.memref_slice %arg3[%add3A_34] : memref<320000xi32, #tpu.memory_space<hbm>> -> memref<80xi32, #tpu.memory_space<hbm>>
      %dma_start3A_55 = tpu.memref_slice %arg3[%add3A_34] : memref<320000xi32, #tpu.memory_space<hbm>> -> memref<80xi32, #tpu.memory_space<hbm>>
      tpu.enqueue_dma source(%dma_start3A_55 : memref<80xi32, #tpu.memory_space<hbm>>) target(%arg11 : memref<80xi32, #tpu.memory_space<vmem>>) target_semaphore(%run_scoped3A : memref<!tpu.dma_semaphore, #tpu.memory_space<semaphore_mem>>)
      %dma_wait3A_56 = tpu.memref_slice %arg3[%add3A_34] : memref<320000xi32, #tpu.memory_space<hbm>> -> memref<80xi32, #tpu.memory_space<hbm>>
      %dma_wait3A_57 = tpu.memref_slice %arg3[%add3A_34] : memref<320000xi32, #tpu.memory_space<hbm>> -> memref<80xi32, #tpu.memory_space<hbm>>
      tpu.wait_dma2 semaphore(%run_scoped3A : memref<!tpu.dma_semaphore, #tpu.memory_space<semaphore_mem>>) src(%dma_wait3A_57 : memref<80xi32, #tpu.memory_space<hbm>>) dst(%arg11 : memref<80xi32, #tpu.memory_space<vmem>>)
      tpu.yield
    }) : () -> ()
    %dma_start3A = arith.constant 0 : i32
    %dma_start3A_35 = arith.constant 0 : i32
    %dma_start3A_36 = tpu.memref_slice %arg4[%dma_start3A, %dma_start3A_35] : memref<10000x128xf32, #tpu.memory_space<hbm>> -> memref<10000x128xf32, #tpu.memory_space<hbm>>
    tpu.enqueue_indirect_dma source(%dma_start3A_36 : memref<10000x128xf32, #tpu.memory_space<hbm>>) target(%arg13 : memref<80x128xf32, #tpu.memory_space<vmem>>) offsets(%arg9 : memref<80xi32, #tpu.memory_space<vmem>>) semaphore(%arg15 : memref<!tpu.dma_semaphore, #tpu.memory_space<semaphore_mem>>)
    %scan3A_37 = arith.constant 0 : i32
    %scan3A_38 = arith.constant 0 : i32
    %scan3A_39 = arith.constant 63 : i32
    %scan3A_40 = arith.addi %scan3A_38, %scan3A_39 : i32
    %scan3A_41 = arith.constant 1 : i32
    scf.for %scan3A_54 = %scan3A_38 to %scan3A_40 step %scan3A_41  : i32 {
      %mul3A_55 = arith.constant 2 : i32
      %mul3A_56 = arith.muli %scan3A_54, %mul3A_55 : i32
      %add3A_57 = arith.constant 0 : i32
      %add3A_58 = arith.addi %mul3A_56, %add3A_57 : i32
      %lt3A = arith.constant 125 : i32
      %lt3A_59 = arith.cmpi slt, %add3A_58, %lt3A : i32
      %convert_element_type3A_60 = arith.extui %lt3A_59 : i1 to i32
      %cond3A_61 = arith.constant 0 : i32
      %cond3A_62 = arith.cmpi ne, %convert_element_type3A_60, %cond3A_61 : i32
      scf.if %cond3A_62 {
        %ge3A = arith.constant 1 : i32
        %ge3A_72 = arith.cmpi sge, %add3A_58, %ge3A : i32
        %convert_element_type3A_73 = arith.extui %ge3A_72 : i1 to i32
        %cond3A_74 = arith.constant 0 : i32
        %cond3A_75 = arith.cmpi ne, %convert_element_type3A_73, %cond3A_74 : i32
        scf.if %cond3A_75 {
          %dma_wait3A_99 = arith.constant 0 : i32
          %dma_wait3A_100 = arith.constant 0 : i32
          %dma_wait3A_101 = tpu.memref_slice %arg19[%dma_wait3A_99, %dma_wait3A_100] : memref<10000x128xf32, #tpu.memory_space<vmem_shared>> -> memref<10000x128xf32, #tpu.memory_space<vmem_shared>>
          tpu.wait_indirect_dma semaphore(%arg18 : memref<!tpu.dma_semaphore, #tpu.memory_space<semaphore_mem>>) src(%arg14 : memref<80x128xf32, #tpu.memory_space<vmem>>) dst(%dma_wait3A_101 : memref<10000x128xf32, #tpu.memory_space<vmem_shared>>)
        } else {
        }
        %add3A_76 = arith.constant 2 : i32
        %add3A_77 = arith.addi %add3A_58, %add3A_76 : i32
        %sub3A = arith.constant 1 : i32
        %sub3A_78 = arith.subi %add3A_77, %sub3A : i32
        %lt3A_79 = arith.constant 125 : i32
        %lt3A_80 = arith.cmpi slt, %sub3A_78, %lt3A_79 : i32
        %convert_element_type3A_81 = arith.extui %lt3A_80 : i1 to i32
        %cond3A_82 = arith.constant 0 : i32
        %cond3A_83 = arith.cmpi ne, %convert_element_type3A_81, %cond3A_82 : i32
        scf.if %cond3A_83 {
          %add3A_99 = arith.constant 2 : i32
          %add3A_100 = arith.addi %add3A_58, %add3A_99 : i32
          %sub3A_101 = arith.constant 1 : i32
          %sub3A_102 = arith.subi %add3A_100, %sub3A_101 : i32
          %mul3A_103 = arith.constant 80 : i32
          %mul3A_104 = arith.muli %sub3A_102, %mul3A_103 : i32
          %add3A_105 = arith.addi %mul3A_2, %mul3A_104 : i32
          "tpu.region"() ({
            %run_scoped3A = tpu.sem_alloc : memref<!tpu.dma_semaphore, #tpu.memory_space<semaphore_mem>>
            %dma_start3A_106 = tpu.memref_slice %arg2[%add3A_105] : memref<320000xi32, #tpu.memory_space<hbm>> -> memref<80xi32, #tpu.memory_space<hbm>>
            %dma_start3A_107 = tpu.memref_slice %arg2[%add3A_105] : memref<320000xi32, #tpu.memory_space<hbm>> -> memref<80xi32, #tpu.memory_space<hbm>>
            tpu.enqueue_dma source(%dma_start3A_107 : memref<80xi32, #tpu.memory_space<hbm>>) target(%arg10 : memref<80xi32, #tpu.memory_space<vmem>>) target_semaphore(%run_scoped3A : memref<!tpu.dma_semaphore, #tpu.memory_space<semaphore_mem>>)
            %dma_wait3A_108 = tpu.memref_slice %arg2[%add3A_105] : memref<320000xi32, #tpu.memory_space<hbm>> -> memref<80xi32, #tpu.memory_space<hbm>>
            %dma_wait3A_109 = tpu.memref_slice %arg2[%add3A_105] : memref<320000xi32, #tpu.memory_space<hbm>> -> memref<80xi32, #tpu.memory_space<hbm>>
            tpu.wait_dma2 semaphore(%run_scoped3A : memref<!tpu.dma_semaphore, #tpu.memory_space<semaphore_mem>>) src(%dma_wait3A_109 : memref<80xi32, #tpu.memory_space<hbm>>) dst(%arg10 : memref<80xi32, #tpu.memory_space<vmem>>)
            tpu.yield
          }) : () -> ()
          "tpu.region"() ({
            %run_scoped3A = tpu.sem_alloc : memref<!tpu.dma_semaphore, #tpu.memory_space<semaphore_mem>>
            %dma_start3A_106 = tpu.memref_slice %arg3[%add3A_105] : memref<320000xi32, #tpu.memory_space<hbm>> -> memref<80xi32, #tpu.memory_space<hbm>>
            %dma_start3A_107 = tpu.memref_slice %arg3[%add3A_105] : memref<320000xi32, #tpu.memory_space<hbm>> -> memref<80xi32, #tpu.memory_space<hbm>>
            tpu.enqueue_dma source(%dma_start3A_107 : memref<80xi32, #tpu.memory_space<hbm>>) target(%arg12 : memref<80xi32, #tpu.memory_space<vmem>>) target_semaphore(%run_scoped3A : memref<!tpu.dma_semaphore, #tpu.memory_space<semaphore_mem>>)
            %dma_wait3A_108 = tpu.memref_slice %arg3[%add3A_105] : memref<320000xi32, #tpu.memory_space<hbm>> -> memref<80xi32, #tpu.memory_space<hbm>>
            %dma_wait3A_109 = tpu.memref_slice %arg3[%add3A_105] : memref<320000xi32, #tpu.memory_space<hbm>> -> memref<80xi32, #tpu.memory_space<hbm>>
            tpu.wait_dma2 semaphore(%run_scoped3A : memref<!tpu.dma_semaphore, #tpu.memory_space<semaphore_mem>>) src(%dma_wait3A_109 : memref<80xi32, #tpu.memory_space<hbm>>) dst(%arg12 : memref<80xi32, #tpu.memory_space<vmem>>)
            tpu.yield
          }) : () -> ()
        } else {
        }
        %dma_wait3A_84 = arith.constant 0 : i32
        %dma_wait3A_85 = arith.constant 0 : i32
        %dma_wait3A_86 = tpu.memref_slice %arg4[%dma_wait3A_84, %dma_wait3A_85] : memref<10000x128xf32, #tpu.memory_space<hbm>> -> memref<10000x128xf32, #tpu.memory_space<hbm>>
        tpu.wait_indirect_dma semaphore(%arg15 : memref<!tpu.dma_semaphore, #tpu.memory_space<semaphore_mem>>) src(%dma_wait3A_86 : memref<10000x128xf32, #tpu.memory_space<hbm>>) dst(%arg13 : memref<80x128xf32, #tpu.memory_space<vmem>>)
        %dma_start3A_87 = arith.constant 0 : i32
        %dma_start3A_88 = arith.constant 0 : i32
        %dma_start3A_89 = tpu.memref_slice %arg19[%dma_start3A_87, %dma_start3A_88] : memref<10000x128xf32, #tpu.memory_space<vmem_shared>> -> memref<10000x128xf32, #tpu.memory_space<vmem_shared>>
        tpu.enqueue_indirect_dma source(%arg13 : memref<80x128xf32, #tpu.memory_space<vmem>>) target(%dma_start3A_89 : memref<10000x128xf32, #tpu.memory_space<vmem_shared>>) offsets(%arg11 : memref<80xi32, #tpu.memory_space<vmem>>) semaphore(%arg17 : memref<!tpu.dma_semaphore, #tpu.memory_space<semaphore_mem>>) {add = true}
        %add3A_90 = arith.constant 2 : i32
        %add3A_91 = arith.addi %add3A_58, %add3A_90 : i32
        %sub3A_92 = arith.constant 1 : i32
        %sub3A_93 = arith.subi %add3A_91, %sub3A_92 : i32
        %lt3A_94 = arith.constant 125 : i32
        %lt3A_95 = arith.cmpi slt, %sub3A_93, %lt3A_94 : i32
        %convert_element_type3A_96 = arith.extui %lt3A_95 : i1 to i32
        %cond3A_97 = arith.constant 0 : i32
        %cond3A_98 = arith.cmpi ne, %convert_element_type3A_96, %cond3A_97 : i32
        scf.if %cond3A_98 {
          %dma_start3A_99 = arith.constant 0 : i32
          %dma_start3A_100 = arith.constant 0 : i32
          %dma_start3A_101 = tpu.memref_slice %arg4[%dma_start3A_99, %dma_start3A_100] : memref<10000x128xf32, #tpu.memory_space<hbm>> -> memref<10000x128xf32, #tpu.memory_space<hbm>>
          tpu.enqueue_indirect_dma source(%dma_start3A_101 : memref<10000x128xf32, #tpu.memory_space<hbm>>) target(%arg14 : memref<80x128xf32, #tpu.memory_space<vmem>>) offsets(%arg10 : memref<80xi32, #tpu.memory_space<vmem>>) semaphore(%arg16 : memref<!tpu.dma_semaphore, #tpu.memory_space<semaphore_mem>>)
        } else {
        }
      } else {
      }
      %mul3A_63 = arith.constant 2 : i32
      %mul3A_64 = arith.muli %scan3A_54, %mul3A_63 : i32
      %add3A_65 = arith.constant 1 : i32
      %add3A_66 = arith.addi %mul3A_64, %add3A_65 : i32
      %lt3A_67 = arith.constant 125 : i32
      %lt3A_68 = arith.cmpi slt, %add3A_66, %lt3A_67 : i32
      %convert_element_type3A_69 = arith.extui %lt3A_68 : i1 to i32
      %cond3A_70 = arith.constant 0 : i32
      %cond3A_71 = arith.cmpi ne, %convert_element_type3A_69, %cond3A_70 : i32
      scf.if %cond3A_71 {
        %ge3A = arith.constant 1 : i32
        %ge3A_72 = arith.cmpi sge, %add3A_66, %ge3A : i32
        %convert_element_type3A_73 = arith.extui %ge3A_72 : i1 to i32
        %cond3A_74 = arith.constant 0 : i32
        %cond3A_75 = arith.cmpi ne, %convert_element_type3A_73, %cond3A_74 : i32
        scf.if %cond3A_75 {
          %dma_wait3A_99 = arith.constant 0 : i32
          %dma_wait3A_100 = arith.constant 0 : i32
          %dma_wait3A_101 = tpu.memref_slice %arg19[%dma_wait3A_99, %dma_wait3A_100] : memref<10000x128xf32, #tpu.memory_space<vmem_shared>> -> memref<10000x128xf32, #tpu.memory_space<vmem_shared>>
          tpu.wait_indirect_dma semaphore(%arg17 : memref<!tpu.dma_semaphore, #tpu.memory_space<semaphore_mem>>) src(%arg13 : memref<80x128xf32, #tpu.memory_space<vmem>>) dst(%dma_wait3A_101 : memref<10000x128xf32, #tpu.memory_space<vmem_shared>>)
        } else {
        }
        %add3A_76 = arith.constant 2 : i32
        %add3A_77 = arith.addi %add3A_66, %add3A_76 : i32
        %sub3A = arith.constant 1 : i32
        %sub3A_78 = arith.subi %add3A_77, %sub3A : i32
        %lt3A_79 = arith.constant 125 : i32
        %lt3A_80 = arith.cmpi slt, %sub3A_78, %lt3A_79 : i32
        %convert_element_type3A_81 = arith.extui %lt3A_80 : i1 to i32
        %cond3A_82 = arith.constant 0 : i32
        %cond3A_83 = arith.cmpi ne, %convert_element_type3A_81, %cond3A_82 : i32
        scf.if %cond3A_83 {
          %add3A_99 = arith.constant 2 : i32
          %add3A_100 = arith.addi %add3A_66, %add3A_99 : i32
          %sub3A_101 = arith.constant 1 : i32
          %sub3A_102 = arith.subi %add3A_100, %sub3A_101 : i32
          %mul3A_103 = arith.constant 80 : i32
          %mul3A_104 = arith.muli %sub3A_102, %mul3A_103 : i32
          %add3A_105 = arith.addi %mul3A_2, %mul3A_104 : i32
          "tpu.region"() ({
            %run_scoped3A = tpu.sem_alloc : memref<!tpu.dma_semaphore, #tpu.memory_space<semaphore_mem>>
            %dma_start3A_106 = tpu.memref_slice %arg2[%add3A_105] : memref<320000xi32, #tpu.memory_space<hbm>> -> memref<80xi32, #tpu.memory_space<hbm>>
            %dma_start3A_107 = tpu.memref_slice %arg2[%add3A_105] : memref<320000xi32, #tpu.memory_space<hbm>> -> memref<80xi32, #tpu.memory_space<hbm>>
            tpu.enqueue_dma source(%dma_start3A_107 : memref<80xi32, #tpu.memory_space<hbm>>) target(%arg9 : memref<80xi32, #tpu.memory_space<vmem>>) target_semaphore(%run_scoped3A : memref<!tpu.dma_semaphore, #tpu.memory_space<semaphore_mem>>)
            %dma_wait3A_108 = tpu.memref_slice %arg2[%add3A_105] : memref<320000xi32, #tpu.memory_space<hbm>> -> memref<80xi32, #tpu.memory_space<hbm>>
            %dma_wait3A_109 = tpu.memref_slice %arg2[%add3A_105] : memref<320000xi32, #tpu.memory_space<hbm>> -> memref<80xi32, #tpu.memory_space<hbm>>
            tpu.wait_dma2 semaphore(%run_scoped3A : memref<!tpu.dma_semaphore, #tpu.memory_space<semaphore_mem>>) src(%dma_wait3A_109 : memref<80xi32, #tpu.memory_space<hbm>>) dst(%arg9 : memref<80xi32, #tpu.memory_space<vmem>>)
            tpu.yield
          }) : () -> ()
          "tpu.region"() ({
            %run_scoped3A = tpu.sem_alloc : memref<!tpu.dma_semaphore, #tpu.memory_space<semaphore_mem>>
            %dma_start3A_106 = tpu.memref_slice %arg3[%add3A_105] : memref<320000xi32, #tpu.memory_space<hbm>> -> memref<80xi32, #tpu.memory_space<hbm>>
            %dma_start3A_107 = tpu.memref_slice %arg3[%add3A_105] : memref<320000xi32, #tpu.memory_space<hbm>> -> memref<80xi32, #tpu.memory_space<hbm>>
            tpu.enqueue_dma source(%dma_start3A_107 : memref<80xi32, #tpu.memory_space<hbm>>) target(%arg11 : memref<80xi32, #tpu.memory_space<vmem>>) target_semaphore(%run_scoped3A : memref<!tpu.dma_semaphore, #tpu.memory_space<semaphore_mem>>)
            %dma_wait3A_108 = tpu.memref_slice %arg3[%add3A_105] : memref<320000xi32, #tpu.memory_space<hbm>> -> memref<80xi32, #tpu.memory_space<hbm>>
            %dma_wait3A_109 = tpu.memref_slice %arg3[%add3A_105] : memref<320000xi32, #tpu.memory_space<hbm>> -> memref<80xi32, #tpu.memory_space<hbm>>
            tpu.wait_dma2 semaphore(%run_scoped3A : memref<!tpu.dma_semaphore, #tpu.memory_space<semaphore_mem>>) src(%dma_wait3A_109 : memref<80xi32, #tpu.memory_space<hbm>>) dst(%arg11 : memref<80xi32, #tpu.memory_space<vmem>>)
            tpu.yield
          }) : () -> ()
        } else {
        }
        %dma_wait3A_84 = arith.constant 0 : i32
        %dma_wait3A_85 = arith.constant 0 : i32
        %dma_wait3A_86 = tpu.memref_slice %arg4[%dma_wait3A_84, %dma_wait3A_85] : memref<10000x128xf32, #tpu.memory_space<hbm>> -> memref<10000x128xf32, #tpu.memory_space<hbm>>
        tpu.wait_indirect_dma semaphore(%arg16 : memref<!tpu.dma_semaphore, #tpu.memory_space<semaphore_mem>>) src(%dma_wait3A_86 : memref<10000x128xf32, #tpu.memory_space<hbm>>) dst(%arg14 : memref<80x128xf32, #tpu.memory_space<vmem>>)
        %dma_start3A_87 = arith.constant 0 : i32
        %dma_start3A_88 = arith.constant 0 : i32
        %dma_start3A_89 = tpu.memref_slice %arg19[%dma_start3A_87, %dma_start3A_88] : memref<10000x128xf32, #tpu.memory_space<vmem_shared>> -> memref<10000x128xf32, #tpu.memory_space<vmem_shared>>
        tpu.enqueue_indirect_dma source(%arg14 : memref<80x128xf32, #tpu.memory_space<vmem>>) target(%dma_start3A_89 : memref<10000x128xf32, #tpu.memory_space<vmem_shared>>) offsets(%arg12 : memref<80xi32, #tpu.memory_space<vmem>>) semaphore(%arg18 : memref<!tpu.dma_semaphore, #tpu.memory_space<semaphore_mem>>) {add = true}
        %add3A_90 = arith.constant 2 : i32
        %add3A_91 = arith.addi %add3A_66, %add3A_90 : i32
        %sub3A_92 = arith.constant 1 : i32
        %sub3A_93 = arith.subi %add3A_91, %sub3A_92 : i32
        %lt3A_94 = arith.constant 125 : i32
        %lt3A_95 = arith.cmpi slt, %sub3A_93, %lt3A_94 : i32
        %convert_element_type3A_96 = arith.extui %lt3A_95 : i1 to i32
        %cond3A_97 = arith.constant 0 : i32
        %cond3A_98 = arith.cmpi ne, %convert_element_type3A_96, %cond3A_97 : i32
        scf.if %cond3A_98 {
          %dma_start3A_99 = arith.constant 0 : i32
          %dma_start3A_100 = arith.constant 0 : i32
          %dma_start3A_101 = tpu.memref_slice %arg4[%dma_start3A_99, %dma_start3A_100] : memref<10000x128xf32, #tpu.memory_space<hbm>> -> memref<10000x128xf32, #tpu.memory_space<hbm>>
          tpu.enqueue_indirect_dma source(%dma_start3A_101 : memref<10000x128xf32, #tpu.memory_space<hbm>>) target(%arg13 : memref<80x128xf32, #tpu.memory_space<vmem>>) offsets(%arg9 : memref<80xi32, #tpu.memory_space<vmem>>) semaphore(%arg15 : memref<!tpu.dma_semaphore, #tpu.memory_space<semaphore_mem>>)
        } else {
        }
      } else {
      }
    }
    %scan3A_42 = arith.constant 63 : i32
    %dma_wait3A_43 = arith.constant 0 : i32
    %dma_wait3A_44 = arith.constant 0 : i32
    %dma_wait3A_45 = tpu.memref_slice %arg19[%dma_wait3A_43, %dma_wait3A_44] : memref<10000x128xf32, #tpu.memory_space<vmem_shared>> -> memref<10000x128xf32, #tpu.memory_space<vmem_shared>>
    tpu.wait_indirect_dma semaphore(%arg17 : memref<!tpu.dma_semaphore, #tpu.memory_space<semaphore_mem>>) src(%arg13 : memref<80x128xf32, #tpu.memory_space<vmem>>) dst(%dma_wait3A_45 : memref<10000x128xf32, #tpu.memory_space<vmem_shared>>)
    %barrier3A_46 = arith.constant 0 : index
    tpu.barrier barrier_id(%barrier3A_46)
    %mul3A_47 = arith.constant 624 : i32
    %mul3A_48 = arith.muli %arg1, %mul3A_47 : i32
    "tpu.region"() ({
      %run_scoped3A = tpu.sem_alloc : memref<!tpu.dma_semaphore, #tpu.memory_space<semaphore_mem>>
      %dma_start3A_54 = arith.constant 0 : i32
      %dma_start3A_55 = tpu.memref_slice %arg7[%arg0, %mul3A_48, %dma_start3A_54] : memref<2x10000x128xf32, #tpu.memory_space<hbm>> -> memref<1x624x128xf32, #tpu.memory_space<hbm>>
      %dma_start3A_56 = tpu.memref_squeeze %dma_start3A_55 : memref<1x624x128xf32, #tpu.memory_space<hbm>> -> memref<624x128xf32, #tpu.memory_space<hbm>>
      %dma_start3A_57 = arith.constant 0 : i32
      %dma_start3A_58 = tpu.memref_slice %arg19[%mul3A_48, %dma_start3A_57] : memref<10000x128xf32, #tpu.memory_space<vmem_shared>> -> memref<624x128xf32, #tpu.memory_space<vmem_shared>>
      tpu.enqueue_dma source(%dma_start3A_58 : memref<624x128xf32, #tpu.memory_space<vmem_shared>>) target(%dma_start3A_56 : memref<624x128xf32, #tpu.memory_space<hbm>>) target_semaphore(%run_scoped3A : memref<!tpu.dma_semaphore, #tpu.memory_space<semaphore_mem>>)
      %dma_wait3A_59 = arith.constant 0 : i32
      %dma_wait3A_60 = tpu.memref_slice %arg7[%arg0, %mul3A_48, %dma_wait3A_59] : memref<2x10000x128xf32, #tpu.memory_space<hbm>> -> memref<1x624x128xf32, #tpu.memory_space<hbm>>
      %dma_wait3A_61 = tpu.memref_squeeze %dma_wait3A_60 : memref<1x624x128xf32, #tpu.memory_space<hbm>> -> memref<624x128xf32, #tpu.memory_space<hbm>>
      %dma_wait3A_62 = arith.constant 0 : i32
      %dma_wait3A_63 = tpu.memref_slice %arg19[%mul3A_48, %dma_wait3A_62] : memref<10000x128xf32, #tpu.memory_space<vmem_shared>> -> memref<624x128xf32, #tpu.memory_space<vmem_shared>>
      tpu.wait_dma2 semaphore(%run_scoped3A : memref<!tpu.dma_semaphore, #tpu.memory_space<semaphore_mem>>) src(%dma_wait3A_63 : memref<624x128xf32, #tpu.memory_space<vmem_shared>>) dst(%dma_wait3A_61 : memref<624x128xf32, #tpu.memory_space<hbm>>)
      tpu.yield
    }) : () -> ()
    %eq3A_49 = arith.constant 0 : i32
    %eq3A_50 = arith.cmpi eq, %arg1, %eq3A_49 : i32
    %convert_element_type3A_51 = arith.extui %eq3A_50 : i1 to i32
    %cond3A_52 = arith.constant 0 : i32
    %cond3A_53 = arith.cmpi ne, %convert_element_type3A_51, %cond3A_52 : i32
    scf.if %cond3A_53 {
      "tpu.region"() ({
        %run_scoped3A = tpu.sem_alloc : memref<!tpu.dma_semaphore, #tpu.memory_space<semaphore_mem>>
        %dma_start3A_54 = arith.constant 9984 : i32
        %dma_start3A_55 = arith.constant 0 : i32
        %dma_start3A_56 = tpu.memref_slice %arg7[%arg0, %dma_start3A_54, %dma_start3A_55] : memref<2x10000x128xf32, #tpu.memory_space<hbm>> -> memref<1x16x128xf32, #tpu.memory_space<hbm>>
        %dma_start3A_57 = tpu.memref_squeeze %dma_start3A_56 : memref<1x16x128xf32, #tpu.memory_space<hbm>> -> memref<16x128xf32, #tpu.memory_space<hbm>>
        %dma_start3A_58 = arith.constant 9984 : i32
        %dma_start3A_59 = arith.constant 0 : i32
        %dma_start3A_60 = tpu.memref_slice %arg19[%dma_start3A_58, %dma_start3A_59] : memref<10000x128xf32, #tpu.memory_space<vmem_shared>> -> memref<16x128xf32, #tpu.memory_space<vmem_shared>>
        tpu.enqueue_dma source(%dma_start3A_60 : memref<16x128xf32, #tpu.memory_space<vmem_shared>>) target(%dma_start3A_57 : memref<16x128xf32, #tpu.memory_space<hbm>>) target_semaphore(%run_scoped3A : memref<!tpu.dma_semaphore, #tpu.memory_space<semaphore_mem>>)
        %dma_wait3A_61 = arith.constant 9984 : i32
        %dma_wait3A_62 = arith.constant 0 : i32
        %dma_wait3A_63 = tpu.memref_slice %arg7[%arg0, %dma_wait3A_61, %dma_wait3A_62] : memref<2x10000x128xf32, #tpu.memory_space<hbm>> -> memref<1x16x128xf32, #tpu.memory_space<hbm>>
        %dma_wait3A_64 = tpu.memref_squeeze %dma_wait3A_63 : memref<1x16x128xf32, #tpu.memory_space<hbm>> -> memref<16x128xf32, #tpu.memory_space<hbm>>
        %dma_wait3A_65 = arith.constant 9984 : i32
        %dma_wait3A_66 = arith.constant 0 : i32
        %dma_wait3A_67 = tpu.memref_slice %arg19[%dma_wait3A_65, %dma_wait3A_66] : memref<10000x128xf32, #tpu.memory_space<vmem_shared>> -> memref<16x128xf32, #tpu.memory_space<vmem_shared>>
        tpu.wait_dma2 semaphore(%run_scoped3A : memref<!tpu.dma_semaphore, #tpu.memory_space<semaphore_mem>>) src(%dma_wait3A_67 : memref<16x128xf32, #tpu.memory_space<vmem_shared>>) dst(%dma_wait3A_64 : memref<16x128xf32, #tpu.memory_space<hbm>>)
        tpu.yield
      }) : () -> ()
    } else {
    }
    return
  }
}

#map = affine_map<(d0, d1) -> (0)>
#map1 = affine_map<(d0, d1) -> (0, 0)>
#map2 = affine_map<(d0, d1) -> (0, 0, 0)>
module attributes {stable_mosaic.version = 14 : i64} {
  func.func @_sc_agg_body(%arg0: i32, %arg1: i32, %arg2: memref<320000xi32, #tpu.memory_space<hbm>>, %arg3: memref<320000xi32, #tpu.memory_space<hbm>>, %arg4: memref<10000x128xf32, #tpu.memory_space<hbm>>, %arg5: memref<10000x128xf32, #tpu.memory_space<hbm>>, %arg6: memref<2x10000x128xf32, #tpu.memory_space<hbm>>, %arg7: memref<80xi32, #tpu.memory_space<vmem>>, %arg8: memref<80xi32, #tpu.memory_space<vmem>>, %arg9: memref<80xi32, #tpu.memory_space<vmem>>, %arg10: memref<80xi32, #tpu.memory_space<vmem>>, %arg11: memref<80x128xf32, #tpu.memory_space<vmem>>, %arg12: memref<80x128xf32, #tpu.memory_space<vmem>>, %arg13: memref<!tpu.dma_semaphore, #tpu.memory_space<semaphore_mem>>, %arg14: memref<!tpu.dma_semaphore, #tpu.memory_space<semaphore_mem>>, %arg15: memref<!tpu.dma_semaphore, #tpu.memory_space<semaphore_mem>>, %arg16: memref<!tpu.dma_semaphore, #tpu.memory_space<semaphore_mem>>, %arg17: memref<10000x128xf32, #tpu.memory_space<vmem_shared>>) attributes {dimension_semantics = [#tpu.dimension_semantics<core_parallel>, #tpu.dimension_semantics<subcore_parallel>], iteration_bounds = array<i64: 2, 16>, scalar_prefetch = 0 : i64, scratch_operands = 11 : i64, tpu.core_type = #tpu.core_type<sc_vector_subcore>, window_params = [{transform_indices = #map}, {transform_indices = #map}, {transform_indices = #map1}, {transform_indices = #map1}, {transform_indices = #map2}]} {
    %mul3A = arith.constant 16 : i32
    %mul3A_0 = arith.muli %arg0, %mul3A : i32
    %add3A = arith.addi %mul3A_0, %arg1 : i32
    %mul3A_1 = arith.constant 10000 : i32
    %mul3A_2 = arith.muli %add3A, %mul3A_1 : i32
    %mul3A_3 = arith.constant 624 : i32
    %mul3A_4 = arith.muli %arg1, %mul3A_3 : i32
    "tpu.region"() ({
      %run_scoped3A = tpu.sem_alloc : memref<!tpu.dma_semaphore, #tpu.memory_space<semaphore_mem>>
      %dma_start3A_26 = arith.constant 0 : i32
      %dma_start3A_27 = tpu.memref_slice %arg17[%mul3A_4, %dma_start3A_26] : memref<10000x128xf32, #tpu.memory_space<vmem_shared>> -> memref<624x128xf32, #tpu.memory_space<vmem_shared>>
      %dma_start3A_28 = arith.constant 0 : i32
      %dma_start3A_29 = tpu.memref_slice %arg5[%mul3A_4, %dma_start3A_28] : memref<10000x128xf32, #tpu.memory_space<hbm>> -> memref<624x128xf32, #tpu.memory_space<hbm>>
      tpu.enqueue_dma source(%dma_start3A_29 : memref<624x128xf32, #tpu.memory_space<hbm>>) target(%dma_start3A_27 : memref<624x128xf32, #tpu.memory_space<vmem_shared>>) target_semaphore(%run_scoped3A : memref<!tpu.dma_semaphore, #tpu.memory_space<semaphore_mem>>)
      %dma_wait3A_30 = arith.constant 0 : i32
      %dma_wait3A_31 = tpu.memref_slice %arg17[%mul3A_4, %dma_wait3A_30] : memref<10000x128xf32, #tpu.memory_space<vmem_shared>> -> memref<624x128xf32, #tpu.memory_space<vmem_shared>>
      %dma_wait3A_32 = arith.constant 0 : i32
      %dma_wait3A_33 = tpu.memref_slice %arg5[%mul3A_4, %dma_wait3A_32] : memref<10000x128xf32, #tpu.memory_space<hbm>> -> memref<624x128xf32, #tpu.memory_space<hbm>>
      tpu.wait_dma2 semaphore(%run_scoped3A : memref<!tpu.dma_semaphore, #tpu.memory_space<semaphore_mem>>) src(%dma_wait3A_33 : memref<624x128xf32, #tpu.memory_space<hbm>>) dst(%dma_wait3A_31 : memref<624x128xf32, #tpu.memory_space<vmem_shared>>)
      tpu.yield
    }) : () -> ()
    %eq3A = arith.constant 0 : i32
    %eq3A_5 = arith.cmpi eq, %arg1, %eq3A : i32
    %convert_element_type3A = arith.extui %eq3A_5 : i1 to i32
    %cond3A = arith.constant 0 : i32
    %cond3A_6 = arith.cmpi ne, %convert_element_type3A, %cond3A : i32
    scf.if %cond3A_6 {
      "tpu.region"() ({
        %run_scoped3A = tpu.sem_alloc : memref<!tpu.dma_semaphore, #tpu.memory_space<semaphore_mem>>
        %dma_start3A_26 = arith.constant 9984 : i32
        %dma_start3A_27 = arith.constant 0 : i32
        %dma_start3A_28 = tpu.memref_slice %arg17[%dma_start3A_26, %dma_start3A_27] : memref<10000x128xf32, #tpu.memory_space<vmem_shared>> -> memref<16x128xf32, #tpu.memory_space<vmem_shared>>
        %dma_start3A_29 = arith.constant 9984 : i32
        %dma_start3A_30 = arith.constant 0 : i32
        %dma_start3A_31 = tpu.memref_slice %arg5[%dma_start3A_29, %dma_start3A_30] : memref<10000x128xf32, #tpu.memory_space<hbm>> -> memref<16x128xf32, #tpu.memory_space<hbm>>
        tpu.enqueue_dma source(%dma_start3A_31 : memref<16x128xf32, #tpu.memory_space<hbm>>) target(%dma_start3A_28 : memref<16x128xf32, #tpu.memory_space<vmem_shared>>) target_semaphore(%run_scoped3A : memref<!tpu.dma_semaphore, #tpu.memory_space<semaphore_mem>>)
        %dma_wait3A_32 = arith.constant 9984 : i32
        %dma_wait3A_33 = arith.constant 0 : i32
        %dma_wait3A_34 = tpu.memref_slice %arg17[%dma_wait3A_32, %dma_wait3A_33] : memref<10000x128xf32, #tpu.memory_space<vmem_shared>> -> memref<16x128xf32, #tpu.memory_space<vmem_shared>>
        %dma_wait3A_35 = arith.constant 9984 : i32
        %dma_wait3A_36 = arith.constant 0 : i32
        %dma_wait3A_37 = tpu.memref_slice %arg5[%dma_wait3A_35, %dma_wait3A_36] : memref<10000x128xf32, #tpu.memory_space<hbm>> -> memref<16x128xf32, #tpu.memory_space<hbm>>
        tpu.wait_dma2 semaphore(%run_scoped3A : memref<!tpu.dma_semaphore, #tpu.memory_space<semaphore_mem>>) src(%dma_wait3A_37 : memref<16x128xf32, #tpu.memory_space<hbm>>) dst(%dma_wait3A_34 : memref<16x128xf32, #tpu.memory_space<vmem_shared>>)
        tpu.yield
      }) : () -> ()
    } else {
    }
    %barrier3A = arith.constant 0 : index
    tpu.barrier barrier_id(%barrier3A)
    %add3A_7 = arith.constant 0 : i32
    %add3A_8 = arith.addi %mul3A_2, %add3A_7 : i32
    "tpu.region"() ({
      %run_scoped3A = tpu.sem_alloc : memref<!tpu.dma_semaphore, #tpu.memory_space<semaphore_mem>>
      %dma_start3A_26 = tpu.memref_slice %arg2[%add3A_8] : memref<320000xi32, #tpu.memory_space<hbm>> -> memref<80xi32, #tpu.memory_space<hbm>>
      %dma_start3A_27 = tpu.memref_slice %arg2[%add3A_8] : memref<320000xi32, #tpu.memory_space<hbm>> -> memref<80xi32, #tpu.memory_space<hbm>>
      tpu.enqueue_dma source(%dma_start3A_27 : memref<80xi32, #tpu.memory_space<hbm>>) target(%arg7 : memref<80xi32, #tpu.memory_space<vmem>>) target_semaphore(%run_scoped3A : memref<!tpu.dma_semaphore, #tpu.memory_space<semaphore_mem>>)
      %dma_wait3A_28 = tpu.memref_slice %arg2[%add3A_8] : memref<320000xi32, #tpu.memory_space<hbm>> -> memref<80xi32, #tpu.memory_space<hbm>>
      %dma_wait3A_29 = tpu.memref_slice %arg2[%add3A_8] : memref<320000xi32, #tpu.memory_space<hbm>> -> memref<80xi32, #tpu.memory_space<hbm>>
      tpu.wait_dma2 semaphore(%run_scoped3A : memref<!tpu.dma_semaphore, #tpu.memory_space<semaphore_mem>>) src(%dma_wait3A_29 : memref<80xi32, #tpu.memory_space<hbm>>) dst(%arg7 : memref<80xi32, #tpu.memory_space<vmem>>)
      tpu.yield
    }) : () -> ()
    "tpu.region"() ({
      %run_scoped3A = tpu.sem_alloc : memref<!tpu.dma_semaphore, #tpu.memory_space<semaphore_mem>>
      %dma_start3A_26 = tpu.memref_slice %arg3[%add3A_8] : memref<320000xi32, #tpu.memory_space<hbm>> -> memref<80xi32, #tpu.memory_space<hbm>>
      %dma_start3A_27 = tpu.memref_slice %arg3[%add3A_8] : memref<320000xi32, #tpu.memory_space<hbm>> -> memref<80xi32, #tpu.memory_space<hbm>>
      tpu.enqueue_dma source(%dma_start3A_27 : memref<80xi32, #tpu.memory_space<hbm>>) target(%arg9 : memref<80xi32, #tpu.memory_space<vmem>>) target_semaphore(%run_scoped3A : memref<!tpu.dma_semaphore, #tpu.memory_space<semaphore_mem>>)
      %dma_wait3A_28 = tpu.memref_slice %arg3[%add3A_8] : memref<320000xi32, #tpu.memory_space<hbm>> -> memref<80xi32, #tpu.memory_space<hbm>>
      %dma_wait3A_29 = tpu.memref_slice %arg3[%add3A_8] : memref<320000xi32, #tpu.memory_space<hbm>> -> memref<80xi32, #tpu.memory_space<hbm>>
      tpu.wait_dma2 semaphore(%run_scoped3A : memref<!tpu.dma_semaphore, #tpu.memory_space<semaphore_mem>>) src(%dma_wait3A_29 : memref<80xi32, #tpu.memory_space<hbm>>) dst(%arg9 : memref<80xi32, #tpu.memory_space<vmem>>)
      tpu.yield
    }) : () -> ()
    %dma_start3A = arith.constant 0 : i32
    %dma_start3A_9 = arith.constant 0 : i32
    %dma_start3A_10 = tpu.memref_slice %arg4[%dma_start3A, %dma_start3A_9] : memref<10000x128xf32, #tpu.memory_space<hbm>> -> memref<10000x128xf32, #tpu.memory_space<hbm>>
    tpu.enqueue_indirect_dma source(%dma_start3A_10 : memref<10000x128xf32, #tpu.memory_space<hbm>>) target(%arg11 : memref<80x128xf32, #tpu.memory_space<vmem>>) offsets(%arg7 : memref<80xi32, #tpu.memory_space<vmem>>) semaphore(%arg13 : memref<!tpu.dma_semaphore, #tpu.memory_space<semaphore_mem>>)
    %scan3A = arith.constant 0 : i32
    %scan3A_11 = arith.constant 0 : i32
    %scan3A_12 = arith.constant 63 : i32
    %scan3A_13 = arith.addi %scan3A_11, %scan3A_12 : i32
    %scan3A_14 = arith.constant 1 : i32
    scf.for %scan3A_26 = %scan3A_11 to %scan3A_13 step %scan3A_14  : i32 {
      %mul3A_27 = arith.constant 2 : i32
      %mul3A_28 = arith.muli %scan3A_26, %mul3A_27 : i32
      %add3A_29 = arith.constant 0 : i32
      %add3A_30 = arith.addi %mul3A_28, %add3A_29 : i32
      %lt3A = arith.constant 125 : i32
      %lt3A_31 = arith.cmpi slt, %add3A_30, %lt3A : i32
      %convert_element_type3A_32 = arith.extui %lt3A_31 : i1 to i32
      %cond3A_33 = arith.constant 0 : i32
      %cond3A_34 = arith.cmpi ne, %convert_element_type3A_32, %cond3A_33 : i32
      scf.if %cond3A_34 {
        %ge3A = arith.constant 1 : i32
        %ge3A_44 = arith.cmpi sge, %add3A_30, %ge3A : i32
        %convert_element_type3A_45 = arith.extui %ge3A_44 : i1 to i32
        %cond3A_46 = arith.constant 0 : i32
        %cond3A_47 = arith.cmpi ne, %convert_element_type3A_45, %cond3A_46 : i32
        scf.if %cond3A_47 {
          %dma_wait3A_71 = arith.constant 0 : i32
          %dma_wait3A_72 = arith.constant 0 : i32
          %dma_wait3A_73 = tpu.memref_slice %arg17[%dma_wait3A_71, %dma_wait3A_72] : memref<10000x128xf32, #tpu.memory_space<vmem_shared>> -> memref<10000x128xf32, #tpu.memory_space<vmem_shared>>
          tpu.wait_indirect_dma semaphore(%arg16 : memref<!tpu.dma_semaphore, #tpu.memory_space<semaphore_mem>>) src(%arg12 : memref<80x128xf32, #tpu.memory_space<vmem>>) dst(%dma_wait3A_73 : memref<10000x128xf32, #tpu.memory_space<vmem_shared>>)
        } else {
        }
        %add3A_48 = arith.constant 2 : i32
        %add3A_49 = arith.addi %add3A_30, %add3A_48 : i32
        %sub3A = arith.constant 1 : i32
        %sub3A_50 = arith.subi %add3A_49, %sub3A : i32
        %lt3A_51 = arith.constant 125 : i32
        %lt3A_52 = arith.cmpi slt, %sub3A_50, %lt3A_51 : i32
        %convert_element_type3A_53 = arith.extui %lt3A_52 : i1 to i32
        %cond3A_54 = arith.constant 0 : i32
        %cond3A_55 = arith.cmpi ne, %convert_element_type3A_53, %cond3A_54 : i32
        scf.if %cond3A_55 {
          %add3A_71 = arith.constant 2 : i32
          %add3A_72 = arith.addi %add3A_30, %add3A_71 : i32
          %sub3A_73 = arith.constant 1 : i32
          %sub3A_74 = arith.subi %add3A_72, %sub3A_73 : i32
          %mul3A_75 = arith.constant 80 : i32
          %mul3A_76 = arith.muli %sub3A_74, %mul3A_75 : i32
          %add3A_77 = arith.addi %mul3A_2, %mul3A_76 : i32
          "tpu.region"() ({
            %run_scoped3A = tpu.sem_alloc : memref<!tpu.dma_semaphore, #tpu.memory_space<semaphore_mem>>
            %dma_start3A_78 = tpu.memref_slice %arg2[%add3A_77] : memref<320000xi32, #tpu.memory_space<hbm>> -> memref<80xi32, #tpu.memory_space<hbm>>
            %dma_start3A_79 = tpu.memref_slice %arg2[%add3A_77] : memref<320000xi32, #tpu.memory_space<hbm>> -> memref<80xi32, #tpu.memory_space<hbm>>
            tpu.enqueue_dma source(%dma_start3A_79 : memref<80xi32, #tpu.memory_space<hbm>>) target(%arg8 : memref<80xi32, #tpu.memory_space<vmem>>) target_semaphore(%run_scoped3A : memref<!tpu.dma_semaphore, #tpu.memory_space<semaphore_mem>>)
            %dma_wait3A_80 = tpu.memref_slice %arg2[%add3A_77] : memref<320000xi32, #tpu.memory_space<hbm>> -> memref<80xi32, #tpu.memory_space<hbm>>
            %dma_wait3A_81 = tpu.memref_slice %arg2[%add3A_77] : memref<320000xi32, #tpu.memory_space<hbm>> -> memref<80xi32, #tpu.memory_space<hbm>>
            tpu.wait_dma2 semaphore(%run_scoped3A : memref<!tpu.dma_semaphore, #tpu.memory_space<semaphore_mem>>) src(%dma_wait3A_81 : memref<80xi32, #tpu.memory_space<hbm>>) dst(%arg8 : memref<80xi32, #tpu.memory_space<vmem>>)
            tpu.yield
          }) : () -> ()
          "tpu.region"() ({
            %run_scoped3A = tpu.sem_alloc : memref<!tpu.dma_semaphore, #tpu.memory_space<semaphore_mem>>
            %dma_start3A_78 = tpu.memref_slice %arg3[%add3A_77] : memref<320000xi32, #tpu.memory_space<hbm>> -> memref<80xi32, #tpu.memory_space<hbm>>
            %dma_start3A_79 = tpu.memref_slice %arg3[%add3A_77] : memref<320000xi32, #tpu.memory_space<hbm>> -> memref<80xi32, #tpu.memory_space<hbm>>
            tpu.enqueue_dma source(%dma_start3A_79 : memref<80xi32, #tpu.memory_space<hbm>>) target(%arg10 : memref<80xi32, #tpu.memory_space<vmem>>) target_semaphore(%run_scoped3A : memref<!tpu.dma_semaphore, #tpu.memory_space<semaphore_mem>>)
            %dma_wait3A_80 = tpu.memref_slice %arg3[%add3A_77] : memref<320000xi32, #tpu.memory_space<hbm>> -> memref<80xi32, #tpu.memory_space<hbm>>
            %dma_wait3A_81 = tpu.memref_slice %arg3[%add3A_77] : memref<320000xi32, #tpu.memory_space<hbm>> -> memref<80xi32, #tpu.memory_space<hbm>>
            tpu.wait_dma2 semaphore(%run_scoped3A : memref<!tpu.dma_semaphore, #tpu.memory_space<semaphore_mem>>) src(%dma_wait3A_81 : memref<80xi32, #tpu.memory_space<hbm>>) dst(%arg10 : memref<80xi32, #tpu.memory_space<vmem>>)
            tpu.yield
          }) : () -> ()
        } else {
        }
        %dma_wait3A_56 = arith.constant 0 : i32
        %dma_wait3A_57 = arith.constant 0 : i32
        %dma_wait3A_58 = tpu.memref_slice %arg4[%dma_wait3A_56, %dma_wait3A_57] : memref<10000x128xf32, #tpu.memory_space<hbm>> -> memref<10000x128xf32, #tpu.memory_space<hbm>>
        tpu.wait_indirect_dma semaphore(%arg13 : memref<!tpu.dma_semaphore, #tpu.memory_space<semaphore_mem>>) src(%dma_wait3A_58 : memref<10000x128xf32, #tpu.memory_space<hbm>>) dst(%arg11 : memref<80x128xf32, #tpu.memory_space<vmem>>)
        %dma_start3A_59 = arith.constant 0 : i32
        %dma_start3A_60 = arith.constant 0 : i32
        %dma_start3A_61 = tpu.memref_slice %arg17[%dma_start3A_59, %dma_start3A_60] : memref<10000x128xf32, #tpu.memory_space<vmem_shared>> -> memref<10000x128xf32, #tpu.memory_space<vmem_shared>>
        tpu.enqueue_indirect_dma source(%arg11 : memref<80x128xf32, #tpu.memory_space<vmem>>) target(%dma_start3A_61 : memref<10000x128xf32, #tpu.memory_space<vmem_shared>>) offsets(%arg9 : memref<80xi32, #tpu.memory_space<vmem>>) semaphore(%arg15 : memref<!tpu.dma_semaphore, #tpu.memory_space<semaphore_mem>>) {add = true}
        %add3A_62 = arith.constant 2 : i32
        %add3A_63 = arith.addi %add3A_30, %add3A_62 : i32
        %sub3A_64 = arith.constant 1 : i32
        %sub3A_65 = arith.subi %add3A_63, %sub3A_64 : i32
        %lt3A_66 = arith.constant 125 : i32
        %lt3A_67 = arith.cmpi slt, %sub3A_65, %lt3A_66 : i32
        %convert_element_type3A_68 = arith.extui %lt3A_67 : i1 to i32
        %cond3A_69 = arith.constant 0 : i32
        %cond3A_70 = arith.cmpi ne, %convert_element_type3A_68, %cond3A_69 : i32
        scf.if %cond3A_70 {
          %dma_start3A_71 = arith.constant 0 : i32
          %dma_start3A_72 = arith.constant 0 : i32
          %dma_start3A_73 = tpu.memref_slice %arg4[%dma_start3A_71, %dma_start3A_72] : memref<10000x128xf32, #tpu.memory_space<hbm>> -> memref<10000x128xf32, #tpu.memory_space<hbm>>
          tpu.enqueue_indirect_dma source(%dma_start3A_73 : memref<10000x128xf32, #tpu.memory_space<hbm>>) target(%arg12 : memref<80x128xf32, #tpu.memory_space<vmem>>) offsets(%arg8 : memref<80xi32, #tpu.memory_space<vmem>>) semaphore(%arg14 : memref<!tpu.dma_semaphore, #tpu.memory_space<semaphore_mem>>)
        } else {
        }
      } else {
      }
      %mul3A_35 = arith.constant 2 : i32
      %mul3A_36 = arith.muli %scan3A_26, %mul3A_35 : i32
      %add3A_37 = arith.constant 1 : i32
      %add3A_38 = arith.addi %mul3A_36, %add3A_37 : i32
      %lt3A_39 = arith.constant 125 : i32
      %lt3A_40 = arith.cmpi slt, %add3A_38, %lt3A_39 : i32
      %convert_element_type3A_41 = arith.extui %lt3A_40 : i1 to i32
      %cond3A_42 = arith.constant 0 : i32
      %cond3A_43 = arith.cmpi ne, %convert_element_type3A_41, %cond3A_42 : i32
      scf.if %cond3A_43 {
        %ge3A = arith.constant 1 : i32
        %ge3A_44 = arith.cmpi sge, %add3A_38, %ge3A : i32
        %convert_element_type3A_45 = arith.extui %ge3A_44 : i1 to i32
        %cond3A_46 = arith.constant 0 : i32
        %cond3A_47 = arith.cmpi ne, %convert_element_type3A_45, %cond3A_46 : i32
        scf.if %cond3A_47 {
          %dma_wait3A_71 = arith.constant 0 : i32
          %dma_wait3A_72 = arith.constant 0 : i32
          %dma_wait3A_73 = tpu.memref_slice %arg17[%dma_wait3A_71, %dma_wait3A_72] : memref<10000x128xf32, #tpu.memory_space<vmem_shared>> -> memref<10000x128xf32, #tpu.memory_space<vmem_shared>>
          tpu.wait_indirect_dma semaphore(%arg15 : memref<!tpu.dma_semaphore, #tpu.memory_space<semaphore_mem>>) src(%arg11 : memref<80x128xf32, #tpu.memory_space<vmem>>) dst(%dma_wait3A_73 : memref<10000x128xf32, #tpu.memory_space<vmem_shared>>)
        } else {
        }
        %add3A_48 = arith.constant 2 : i32
        %add3A_49 = arith.addi %add3A_38, %add3A_48 : i32
        %sub3A = arith.constant 1 : i32
        %sub3A_50 = arith.subi %add3A_49, %sub3A : i32
        %lt3A_51 = arith.constant 125 : i32
        %lt3A_52 = arith.cmpi slt, %sub3A_50, %lt3A_51 : i32
        %convert_element_type3A_53 = arith.extui %lt3A_52 : i1 to i32
        %cond3A_54 = arith.constant 0 : i32
        %cond3A_55 = arith.cmpi ne, %convert_element_type3A_53, %cond3A_54 : i32
        scf.if %cond3A_55 {
          %add3A_71 = arith.constant 2 : i32
          %add3A_72 = arith.addi %add3A_38, %add3A_71 : i32
          %sub3A_73 = arith.constant 1 : i32
          %sub3A_74 = arith.subi %add3A_72, %sub3A_73 : i32
          %mul3A_75 = arith.constant 80 : i32
          %mul3A_76 = arith.muli %sub3A_74, %mul3A_75 : i32
          %add3A_77 = arith.addi %mul3A_2, %mul3A_76 : i32
          "tpu.region"() ({
            %run_scoped3A = tpu.sem_alloc : memref<!tpu.dma_semaphore, #tpu.memory_space<semaphore_mem>>
            %dma_start3A_78 = tpu.memref_slice %arg2[%add3A_77] : memref<320000xi32, #tpu.memory_space<hbm>> -> memref<80xi32, #tpu.memory_space<hbm>>
            %dma_start3A_79 = tpu.memref_slice %arg2[%add3A_77] : memref<320000xi32, #tpu.memory_space<hbm>> -> memref<80xi32, #tpu.memory_space<hbm>>
            tpu.enqueue_dma source(%dma_start3A_79 : memref<80xi32, #tpu.memory_space<hbm>>) target(%arg7 : memref<80xi32, #tpu.memory_space<vmem>>) target_semaphore(%run_scoped3A : memref<!tpu.dma_semaphore, #tpu.memory_space<semaphore_mem>>)
            %dma_wait3A_80 = tpu.memref_slice %arg2[%add3A_77] : memref<320000xi32, #tpu.memory_space<hbm>> -> memref<80xi32, #tpu.memory_space<hbm>>
            %dma_wait3A_81 = tpu.memref_slice %arg2[%add3A_77] : memref<320000xi32, #tpu.memory_space<hbm>> -> memref<80xi32, #tpu.memory_space<hbm>>
            tpu.wait_dma2 semaphore(%run_scoped3A : memref<!tpu.dma_semaphore, #tpu.memory_space<semaphore_mem>>) src(%dma_wait3A_81 : memref<80xi32, #tpu.memory_space<hbm>>) dst(%arg7 : memref<80xi32, #tpu.memory_space<vmem>>)
            tpu.yield
          }) : () -> ()
          "tpu.region"() ({
            %run_scoped3A = tpu.sem_alloc : memref<!tpu.dma_semaphore, #tpu.memory_space<semaphore_mem>>
            %dma_start3A_78 = tpu.memref_slice %arg3[%add3A_77] : memref<320000xi32, #tpu.memory_space<hbm>> -> memref<80xi32, #tpu.memory_space<hbm>>
            %dma_start3A_79 = tpu.memref_slice %arg3[%add3A_77] : memref<320000xi32, #tpu.memory_space<hbm>> -> memref<80xi32, #tpu.memory_space<hbm>>
            tpu.enqueue_dma source(%dma_start3A_79 : memref<80xi32, #tpu.memory_space<hbm>>) target(%arg9 : memref<80xi32, #tpu.memory_space<vmem>>) target_semaphore(%run_scoped3A : memref<!tpu.dma_semaphore, #tpu.memory_space<semaphore_mem>>)
            %dma_wait3A_80 = tpu.memref_slice %arg3[%add3A_77] : memref<320000xi32, #tpu.memory_space<hbm>> -> memref<80xi32, #tpu.memory_space<hbm>>
            %dma_wait3A_81 = tpu.memref_slice %arg3[%add3A_77] : memref<320000xi32, #tpu.memory_space<hbm>> -> memref<80xi32, #tpu.memory_space<hbm>>
            tpu.wait_dma2 semaphore(%run_scoped3A : memref<!tpu.dma_semaphore, #tpu.memory_space<semaphore_mem>>) src(%dma_wait3A_81 : memref<80xi32, #tpu.memory_space<hbm>>) dst(%arg9 : memref<80xi32, #tpu.memory_space<vmem>>)
            tpu.yield
          }) : () -> ()
        } else {
        }
        %dma_wait3A_56 = arith.constant 0 : i32
        %dma_wait3A_57 = arith.constant 0 : i32
        %dma_wait3A_58 = tpu.memref_slice %arg4[%dma_wait3A_56, %dma_wait3A_57] : memref<10000x128xf32, #tpu.memory_space<hbm>> -> memref<10000x128xf32, #tpu.memory_space<hbm>>
        tpu.wait_indirect_dma semaphore(%arg14 : memref<!tpu.dma_semaphore, #tpu.memory_space<semaphore_mem>>) src(%dma_wait3A_58 : memref<10000x128xf32, #tpu.memory_space<hbm>>) dst(%arg12 : memref<80x128xf32, #tpu.memory_space<vmem>>)
        %dma_start3A_59 = arith.constant 0 : i32
        %dma_start3A_60 = arith.constant 0 : i32
        %dma_start3A_61 = tpu.memref_slice %arg17[%dma_start3A_59, %dma_start3A_60] : memref<10000x128xf32, #tpu.memory_space<vmem_shared>> -> memref<10000x128xf32, #tpu.memory_space<vmem_shared>>
        tpu.enqueue_indirect_dma source(%arg12 : memref<80x128xf32, #tpu.memory_space<vmem>>) target(%dma_start3A_61 : memref<10000x128xf32, #tpu.memory_space<vmem_shared>>) offsets(%arg10 : memref<80xi32, #tpu.memory_space<vmem>>) semaphore(%arg16 : memref<!tpu.dma_semaphore, #tpu.memory_space<semaphore_mem>>) {add = true}
        %add3A_62 = arith.constant 2 : i32
        %add3A_63 = arith.addi %add3A_38, %add3A_62 : i32
        %sub3A_64 = arith.constant 1 : i32
        %sub3A_65 = arith.subi %add3A_63, %sub3A_64 : i32
        %lt3A_66 = arith.constant 125 : i32
        %lt3A_67 = arith.cmpi slt, %sub3A_65, %lt3A_66 : i32
        %convert_element_type3A_68 = arith.extui %lt3A_67 : i1 to i32
        %cond3A_69 = arith.constant 0 : i32
        %cond3A_70 = arith.cmpi ne, %convert_element_type3A_68, %cond3A_69 : i32
        scf.if %cond3A_70 {
          %dma_start3A_71 = arith.constant 0 : i32
          %dma_start3A_72 = arith.constant 0 : i32
          %dma_start3A_73 = tpu.memref_slice %arg4[%dma_start3A_71, %dma_start3A_72] : memref<10000x128xf32, #tpu.memory_space<hbm>> -> memref<10000x128xf32, #tpu.memory_space<hbm>>
          tpu.enqueue_indirect_dma source(%dma_start3A_73 : memref<10000x128xf32, #tpu.memory_space<hbm>>) target(%arg11 : memref<80x128xf32, #tpu.memory_space<vmem>>) offsets(%arg7 : memref<80xi32, #tpu.memory_space<vmem>>) semaphore(%arg13 : memref<!tpu.dma_semaphore, #tpu.memory_space<semaphore_mem>>)
        } else {
        }
      } else {
      }
    }
    %scan3A_15 = arith.constant 63 : i32
    %dma_wait3A = arith.constant 0 : i32
    %dma_wait3A_16 = arith.constant 0 : i32
    %dma_wait3A_17 = tpu.memref_slice %arg17[%dma_wait3A, %dma_wait3A_16] : memref<10000x128xf32, #tpu.memory_space<vmem_shared>> -> memref<10000x128xf32, #tpu.memory_space<vmem_shared>>
    tpu.wait_indirect_dma semaphore(%arg15 : memref<!tpu.dma_semaphore, #tpu.memory_space<semaphore_mem>>) src(%arg11 : memref<80x128xf32, #tpu.memory_space<vmem>>) dst(%dma_wait3A_17 : memref<10000x128xf32, #tpu.memory_space<vmem_shared>>)
    %barrier3A_18 = arith.constant 0 : index
    tpu.barrier barrier_id(%barrier3A_18)
    %mul3A_19 = arith.constant 624 : i32
    %mul3A_20 = arith.muli %arg1, %mul3A_19 : i32
    "tpu.region"() ({
      %run_scoped3A = tpu.sem_alloc : memref<!tpu.dma_semaphore, #tpu.memory_space<semaphore_mem>>
      %dma_start3A_26 = arith.constant 0 : i32
      %dma_start3A_27 = tpu.memref_slice %arg6[%arg0, %mul3A_20, %dma_start3A_26] : memref<2x10000x128xf32, #tpu.memory_space<hbm>> -> memref<1x624x128xf32, #tpu.memory_space<hbm>>
      %dma_start3A_28 = tpu.memref_squeeze %dma_start3A_27 : memref<1x624x128xf32, #tpu.memory_space<hbm>> -> memref<624x128xf32, #tpu.memory_space<hbm>>
      %dma_start3A_29 = arith.constant 0 : i32
      %dma_start3A_30 = tpu.memref_slice %arg17[%mul3A_20, %dma_start3A_29] : memref<10000x128xf32, #tpu.memory_space<vmem_shared>> -> memref<624x128xf32, #tpu.memory_space<vmem_shared>>
      tpu.enqueue_dma source(%dma_start3A_30 : memref<624x128xf32, #tpu.memory_space<vmem_shared>>) target(%dma_start3A_28 : memref<624x128xf32, #tpu.memory_space<hbm>>) target_semaphore(%run_scoped3A : memref<!tpu.dma_semaphore, #tpu.memory_space<semaphore_mem>>)
      %dma_wait3A_31 = arith.constant 0 : i32
      %dma_wait3A_32 = tpu.memref_slice %arg6[%arg0, %mul3A_20, %dma_wait3A_31] : memref<2x10000x128xf32, #tpu.memory_space<hbm>> -> memref<1x624x128xf32, #tpu.memory_space<hbm>>
      %dma_wait3A_33 = tpu.memref_squeeze %dma_wait3A_32 : memref<1x624x128xf32, #tpu.memory_space<hbm>> -> memref<624x128xf32, #tpu.memory_space<hbm>>
      %dma_wait3A_34 = arith.constant 0 : i32
      %dma_wait3A_35 = tpu.memref_slice %arg17[%mul3A_20, %dma_wait3A_34] : memref<10000x128xf32, #tpu.memory_space<vmem_shared>> -> memref<624x128xf32, #tpu.memory_space<vmem_shared>>
      tpu.wait_dma2 semaphore(%run_scoped3A : memref<!tpu.dma_semaphore, #tpu.memory_space<semaphore_mem>>) src(%dma_wait3A_35 : memref<624x128xf32, #tpu.memory_space<vmem_shared>>) dst(%dma_wait3A_33 : memref<624x128xf32, #tpu.memory_space<hbm>>)
      tpu.yield
    }) : () -> ()
    %eq3A_21 = arith.constant 0 : i32
    %eq3A_22 = arith.cmpi eq, %arg1, %eq3A_21 : i32
    %convert_element_type3A_23 = arith.extui %eq3A_22 : i1 to i32
    %cond3A_24 = arith.constant 0 : i32
    %cond3A_25 = arith.cmpi ne, %convert_element_type3A_23, %cond3A_24 : i32
    scf.if %cond3A_25 {
      "tpu.region"() ({
        %run_scoped3A = tpu.sem_alloc : memref<!tpu.dma_semaphore, #tpu.memory_space<semaphore_mem>>
        %dma_start3A_26 = arith.constant 9984 : i32
        %dma_start3A_27 = arith.constant 0 : i32
        %dma_start3A_28 = tpu.memref_slice %arg6[%arg0, %dma_start3A_26, %dma_start3A_27] : memref<2x10000x128xf32, #tpu.memory_space<hbm>> -> memref<1x16x128xf32, #tpu.memory_space<hbm>>
        %dma_start3A_29 = tpu.memref_squeeze %dma_start3A_28 : memref<1x16x128xf32, #tpu.memory_space<hbm>> -> memref<16x128xf32, #tpu.memory_space<hbm>>
        %dma_start3A_30 = arith.constant 9984 : i32
        %dma_start3A_31 = arith.constant 0 : i32
        %dma_start3A_32 = tpu.memref_slice %arg17[%dma_start3A_30, %dma_start3A_31] : memref<10000x128xf32, #tpu.memory_space<vmem_shared>> -> memref<16x128xf32, #tpu.memory_space<vmem_shared>>
        tpu.enqueue_dma source(%dma_start3A_32 : memref<16x128xf32, #tpu.memory_space<vmem_shared>>) target(%dma_start3A_29 : memref<16x128xf32, #tpu.memory_space<hbm>>) target_semaphore(%run_scoped3A : memref<!tpu.dma_semaphore, #tpu.memory_space<semaphore_mem>>)
        %dma_wait3A_33 = arith.constant 9984 : i32
        %dma_wait3A_34 = arith.constant 0 : i32
        %dma_wait3A_35 = tpu.memref_slice %arg6[%arg0, %dma_wait3A_33, %dma_wait3A_34] : memref<2x10000x128xf32, #tpu.memory_space<hbm>> -> memref<1x16x128xf32, #tpu.memory_space<hbm>>
        %dma_wait3A_36 = tpu.memref_squeeze %dma_wait3A_35 : memref<1x16x128xf32, #tpu.memory_space<hbm>> -> memref<16x128xf32, #tpu.memory_space<hbm>>
        %dma_wait3A_37 = arith.constant 9984 : i32
        %dma_wait3A_38 = arith.constant 0 : i32
        %dma_wait3A_39 = tpu.memref_slice %arg17[%dma_wait3A_37, %dma_wait3A_38] : memref<10000x128xf32, #tpu.memory_space<vmem_shared>> -> memref<16x128xf32, #tpu.memory_space<vmem_shared>>
        tpu.wait_dma2 semaphore(%run_scoped3A : memref<!tpu.dma_semaphore, #tpu.memory_space<semaphore_mem>>) src(%dma_wait3A_39 : memref<16x128xf32, #tpu.memory_space<vmem_shared>>) dst(%dma_wait3A_36 : memref<16x128xf32, #tpu.memory_space<hbm>>)
        tpu.yield
      }) : () -> ()
    } else {
    }
    return
  }
}

module attributes {stable_mosaic.version = 14 : i64} {
  func.func @_tc_pre_body(%arg0: i32, %arg1: memref<1000x128xf32, #tpu.memory_space<vmem>>, %arg2: memref<128x256xf32, #tpu.memory_space<vmem>>, %arg3: memref<1x256xf32, #tpu.memory_space<vmem>>, %arg4: memref<1000x256xf32, #tpu.memory_space<vmem>>) attributes {dimension_semantics = [#tpu.dimension_semantics<arbitrary>], iteration_bounds = array<i64: 10>, scalar_prefetch = 0 : i64, scratch_operands = 0 : i64, tpu.core_type = #tpu.core_type<tc>, window_params = [{transform_indices = @transform_0, window_bounds = array<i64: 1000, 128>}, {pipeline_mode = #tpu.pipeline_mode<synchronous>, transform_indices = @transform_1, window_bounds = array<i64: 128, 256>}, {pipeline_mode = #tpu.pipeline_mode<synchronous>, transform_indices = @transform_2, window_bounds = array<i64: 1, 256>}, {transform_indices = @transform_3, window_bounds = array<i64: 1000, 256>}]} {
    %get3A = arith.constant 0 : index
    %get3A_0 = arith.constant 0 : index
    %get3A_1 = vector.load %arg1[%get3A, %get3A_0] : memref<1000x128xf32, #tpu.memory_space<vmem>>, vector<1000x128xf32>
    %get3A_2 = arith.constant 0 : index
    %get3A_3 = arith.constant 0 : index
    %get3A_4 = vector.load %arg2[%get3A_2, %get3A_3] : memref<128x256xf32, #tpu.memory_space<vmem>>, vector<128x256xf32>
    %dot_general3A = arith.constant dense<0.000000e+00> : vector<1000x256xf32>
    %dot_general3A_5 = tpu.matmul %get3A_1, %get3A_4, %dot_general3A {dimension_numbers = #tpu.dot_dimension_numbers<[1], [0], [0], [1], [0, 0, 1, 1], [], []>, transpose_lhs_hint = false} : vector<1000x128xf32>, vector<128x256xf32>, vector<1000x256xf32> -> vector<1000x256xf32>
    %get3A_6 = arith.constant 0 : index
    %get3A_7 = arith.constant 0 : index
    %get3A_8 = vector.load %arg3[%get3A_6, %get3A_7] : memref<1x256xf32, #tpu.memory_space<vmem>>, vector<1x256xf32>
    %add3A = vector.broadcast %get3A_8 : vector<1x256xf32> to vector<1000x256xf32>
    %add3A_9 = arith.addf %dot_general3A_5, %add3A : vector<1000x256xf32>
    %swap3A = arith.constant 0 : index
    %swap3A_10 = arith.constant 0 : index
    %swap3A_11 = vector.load %arg4[%swap3A, %swap3A_10] : memref<1000x256xf32, #tpu.memory_space<vmem>>, vector<1000x256xf32>
    tpu.vector_store %arg4[%swap3A, %swap3A_10], %add3A_9 {strides = array<i32>} : memref<1000x256xf32, #tpu.memory_space<vmem>>, vector<1000x256xf32>,
    return
  }
  func.func @transform_0(%arg0: i32) -> (i32, i32) {
    %c0_i32 = arith.constant 0 : i32
    %c0_i32_0 = arith.constant 0 : i32
    return %arg0, %c0_i32 : i32, i32
  }
  func.func @transform_1(%arg0: i32) -> (i32, i32) {
    %c0_i32 = arith.constant 0 : i32
    %c0_i32_0 = arith.constant 0 : i32
    %c0_i32_1 = arith.constant 0 : i32
    return %c0_i32, %c0_i32_0 : i32, i32
  }
  func.func @transform_2(%arg0: i32) -> (i32, i32) {
    %c0_i32 = arith.constant 0 : i32
    %c0_i32_0 = arith.constant 0 : i32
    %c0_i32_1 = arith.constant 0 : i32
    return %c0_i32, %c0_i32_0 : i32, i32
  }
  func.func @transform_3(%arg0: i32) -> (i32, i32) {
    %c0_i32 = arith.constant 0 : i32
    %c0_i32_0 = arith.constant 0 : i32
    return %arg0, %c0_i32 : i32, i32
  }
}

module attributes {stable_mosaic.version = 14 : i64} {
  func.func @_tc_mid_body(%arg0: i32, %arg1: memref<1000x256xf32, #tpu.memory_space<vmem>>, %arg2: memref<1000x128xf32, #tpu.memory_space<vmem>>, %arg3: memref<1000x128xf32, #tpu.memory_space<vmem>>, %arg4: memref<1000x128xf32, #tpu.memory_space<vmem>>, %arg5: memref<1000x128xf32, #tpu.memory_space<vmem>>, %arg6: memref<128x256xf32, #tpu.memory_space<vmem>>, %arg7: memref<256x128xf32, #tpu.memory_space<vmem>>, %arg8: memref<1000x128xf32, #tpu.memory_space<vmem>>, %arg9: memref<1000x256xf32, #tpu.memory_space<vmem>>) attributes {dimension_semantics = [#tpu.dimension_semantics<arbitrary>], iteration_bounds = array<i64: 10>, scalar_prefetch = 0 : i64, scratch_operands = 0 : i64, tpu.core_type = #tpu.core_type<tc>, window_params = [{transform_indices = @transform_0, window_bounds = array<i64: 1000, 256>}, {transform_indices = @transform_1, window_bounds = array<i64: 1000, 128>}, {transform_indices = @transform_2, window_bounds = array<i64: 1000, 128>}, {transform_indices = @transform_3, window_bounds = array<i64: 1000, 128>}, {transform_indices = @transform_4, window_bounds = array<i64: 1000, 128>}, {pipeline_mode = #tpu.pipeline_mode<synchronous>, transform_indices = @transform_5, window_bounds = array<i64: 128, 256>}, {pipeline_mode = #tpu.pipeline_mode<synchronous>, transform_indices = @transform_6, window_bounds = array<i64: 256, 128>}, {transform_indices = @transform_7, window_bounds = array<i64: 1000, 128>}, {transform_indices = @transform_8, window_bounds = array<i64: 1000, 256>}]} {
    %get3A = arith.constant 0 : index
    %get3A_0 = arith.constant 0 : index
    %get3A_1 = vector.load %arg4[%get3A, %get3A_0] : memref<1000x128xf32, #tpu.memory_space<vmem>>, vector<1000x1xf32>
    %get3A_2 = arith.constant 0 : index
    %get3A_3 = arith.constant 0 : index
    %get3A_4 = vector.load %arg5[%get3A_2, %get3A_3] : memref<1000x128xf32, #tpu.memory_space<vmem>>, vector<1000x1xf32>
    %add3A = arith.addf %get3A_1, %get3A_4 : vector<1000x1xf32>
    %max3A = arith.constant 1.000000e+00 : f32
    %max3A_5 = vector.broadcast %max3A : f32 to vector<1000x1xf32>
    %max3A_6 = arith.maximumf %add3A, %max3A_5 : vector<1000x1xf32>
    %get3A_7 = arith.constant 0 : index
    %get3A_8 = arith.constant 0 : index
    %get3A_9 = vector.load %arg2[%get3A_7, %get3A_8] : memref<1000x128xf32, #tpu.memory_space<vmem>>, vector<1000x128xf32>
    %get3A_10 = arith.constant 0 : index
    %get3A_11 = arith.constant 0 : index
    %get3A_12 = vector.load %arg3[%get3A_10, %get3A_11] : memref<1000x128xf32, #tpu.memory_space<vmem>>, vector<1000x128xf32>
    %add3A_13 = arith.addf %get3A_9, %get3A_12 : vector<1000x128xf32>
    %div3A = vector.broadcast %max3A_6 : vector<1000x1xf32> to vector<1000x128xf32>
    %div3A_14 = arith.divf %add3A_13, %div3A : vector<1000x128xf32>
    %get3A_15 = arith.constant 0 : index
    %get3A_16 = arith.constant 0 : index
    %get3A_17 = vector.load %arg1[%get3A_15, %get3A_16] : memref<1000x256xf32, #tpu.memory_space<vmem>>, vector<1000x256xf32>
    %get3A_18 = arith.constant 0 : index
    %get3A_19 = arith.constant 0 : index
    %get3A_20 = vector.load %arg6[%get3A_18, %get3A_19] : memref<128x256xf32, #tpu.memory_space<vmem>>, vector<128x256xf32>
    %dot_general3A = arith.constant dense<0.000000e+00> : vector<1000x256xf32>
    %dot_general3A_21 = tpu.matmul %div3A_14, %get3A_20, %dot_general3A {dimension_numbers = #tpu.dot_dimension_numbers<[1], [0], [0], [1], [0, 0, 1, 1], [], []>, transpose_lhs_hint = false} : vector<1000x128xf32>, vector<128x256xf32>, vector<1000x256xf32> -> vector<1000x256xf32>
    %add3A_22 = arith.addf %get3A_17, %dot_general3A_21 : vector<1000x256xf32>
    %max3A_23 = arith.constant 0.000000e+00 : f32
    %max3A_24 = vector.broadcast %max3A_23 : f32 to vector<1000x256xf32>
    %max3A_25 = arith.maximumf %add3A_22, %max3A_24 : vector<1000x256xf32>
    %swap3A = arith.constant 0 : index
    %swap3A_26 = arith.constant 0 : index
    %swap3A_27 = vector.load %arg9[%swap3A, %swap3A_26] : memref<1000x256xf32, #tpu.memory_space<vmem>>, vector<1000x256xf32>
    tpu.vector_store %arg9[%swap3A, %swap3A_26], %max3A_25 {strides = array<i32>} : memref<1000x256xf32, #tpu.memory_space<vmem>>, vector<1000x256xf32>,
    %get3A_28 = arith.constant 0 : index
    %get3A_29 = arith.constant 0 : index
    %get3A_30 = vector.load %arg7[%get3A_28, %get3A_29] : memref<256x128xf32, #tpu.memory_space<vmem>>, vector<256x128xf32>
    %dot_general3A_31 = arith.constant dense<0.000000e+00> : vector<1000x128xf32>
    %dot_general3A_32 = tpu.matmul %max3A_25, %get3A_30, %dot_general3A_31 {dimension_numbers = #tpu.dot_dimension_numbers<[1], [0], [0], [1], [0, 0, 1, 1], [], []>, transpose_lhs_hint = false} : vector<1000x256xf32>, vector<256x128xf32>, vector<1000x128xf32> -> vector<1000x128xf32>
    %swap3A_33 = arith.constant 0 : index
    %swap3A_34 = arith.constant 0 : index
    %swap3A_35 = vector.load %arg8[%swap3A_33, %swap3A_34] : memref<1000x128xf32, #tpu.memory_space<vmem>>, vector<1000x128xf32>
    tpu.vector_store %arg8[%swap3A_33, %swap3A_34], %dot_general3A_32 {strides = array<i32>} : memref<1000x128xf32, #tpu.memory_space<vmem>>, vector<1000x128xf32>,
    return
  }
  func.func @transform_0(%arg0: i32) -> (i32, i32) {
    %c0_i32 = arith.constant 0 : i32
    %c0_i32_0 = arith.constant 0 : i32
    return %arg0, %c0_i32 : i32, i32
  }
  func.func @transform_1(%arg0: i32) -> (i32, i32) {
    %c0_i32 = arith.constant 0 : i32
    %c0_i32_0 = arith.constant 0 : i32
    return %arg0, %c0_i32 : i32, i32
  }
  func.func @transform_2(%arg0: i32) -> (i32, i32) {
    %c0_i32 = arith.constant 0 : i32
    %c0_i32_0 = arith.constant 0 : i32
    return %arg0, %c0_i32 : i32, i32
  }
  func.func @transform_3(%arg0: i32) -> (i32, i32) {
    %c0_i32 = arith.constant 0 : i32
    %c0_i32_0 = arith.constant 0 : i32
    return %arg0, %c0_i32 : i32, i32
  }
  func.func @transform_4(%arg0: i32) -> (i32, i32) {
    %c0_i32 = arith.constant 0 : i32
    %c0_i32_0 = arith.constant 0 : i32
    return %arg0, %c0_i32 : i32, i32
  }
  func.func @transform_5(%arg0: i32) -> (i32, i32) {
    %c0_i32 = arith.constant 0 : i32
    %c0_i32_0 = arith.constant 0 : i32
    %c0_i32_1 = arith.constant 0 : i32
    return %c0_i32, %c0_i32_0 : i32, i32
  }
  func.func @transform_6(%arg0: i32) -> (i32, i32) {
    %c0_i32 = arith.constant 0 : i32
    %c0_i32_0 = arith.constant 0 : i32
    %c0_i32_1 = arith.constant 0 : i32
    return %c0_i32, %c0_i32_0 : i32, i32
  }
  func.func @transform_7(%arg0: i32) -> (i32, i32) {
    %c0_i32 = arith.constant 0 : i32
    %c0_i32_0 = arith.constant 0 : i32
    return %arg0, %c0_i32 : i32, i32
  }
  func.func @transform_8(%arg0: i32) -> (i32, i32) {
    %c0_i32 = arith.constant 0 : i32
    %c0_i32_0 = arith.constant 0 : i32
    return %arg0, %c0_i32 : i32, i32
  }
}

module attributes {stable_mosaic.version = 14 : i64} {
  func.func @_tc_post_body(%arg0: i32, %arg1: memref<1000x256xf32, #tpu.memory_space<vmem>>, %arg2: memref<256x128xf32, #tpu.memory_space<vmem>>, %arg3: memref<1x128xf32, #tpu.memory_space<vmem>>, %arg4: memref<1000x128xf32, #tpu.memory_space<vmem>>) attributes {dimension_semantics = [#tpu.dimension_semantics<arbitrary>], iteration_bounds = array<i64: 10>, scalar_prefetch = 0 : i64, scratch_operands = 0 : i64, tpu.core_type = #tpu.core_type<tc>, window_params = [{transform_indices = @transform_0, window_bounds = array<i64: 1000, 256>}, {pipeline_mode = #tpu.pipeline_mode<synchronous>, transform_indices = @transform_1, window_bounds = array<i64: 256, 128>}, {pipeline_mode = #tpu.pipeline_mode<synchronous>, transform_indices = @transform_2, window_bounds = array<i64: 1, 128>}, {transform_indices = @transform_3, window_bounds = array<i64: 1000, 128>}]} {
    %get3A = arith.constant 0 : index
    %get3A_0 = arith.constant 0 : index
    %get3A_1 = vector.load %arg1[%get3A, %get3A_0] : memref<1000x256xf32, #tpu.memory_space<vmem>>, vector<1000x256xf32>
    %get3A_2 = arith.constant 0 : index
    %get3A_3 = arith.constant 0 : index
    %get3A_4 = vector.load %arg2[%get3A_2, %get3A_3] : memref<256x128xf32, #tpu.memory_space<vmem>>, vector<256x128xf32>
    %dot_general3A = arith.constant dense<0.000000e+00> : vector<1000x128xf32>
    %dot_general3A_5 = tpu.matmul %get3A_1, %get3A_4, %dot_general3A {dimension_numbers = #tpu.dot_dimension_numbers<[1], [0], [0], [1], [0, 0, 1, 1], [], []>, transpose_lhs_hint = false} : vector<1000x256xf32>, vector<256x128xf32>, vector<1000x128xf32> -> vector<1000x128xf32>
    %get3A_6 = arith.constant 0 : index
    %get3A_7 = arith.constant 0 : index
    %get3A_8 = vector.load %arg3[%get3A_6, %get3A_7] : memref<1x128xf32, #tpu.memory_space<vmem>>, vector<1x128xf32>
    %add3A = vector.broadcast %get3A_8 : vector<1x128xf32> to vector<1000x128xf32>
    %add3A_9 = arith.addf %dot_general3A_5, %add3A : vector<1000x128xf32>
    %swap3A = arith.constant 0 : index
    %swap3A_10 = arith.constant 0 : index
    %swap3A_11 = vector.load %arg4[%swap3A, %swap3A_10] : memref<1000x128xf32, #tpu.memory_space<vmem>>, vector<1000x128xf32>
    tpu.vector_store %arg4[%swap3A, %swap3A_10], %add3A_9 {strides = array<i32>} : memref<1000x128xf32, #tpu.memory_space<vmem>>, vector<1000x128xf32>,
    return
  }
  func.func @transform_0(%arg0: i32) -> (i32, i32) {
    %c0_i32 = arith.constant 0 : i32
    %c0_i32_0 = arith.constant 0 : i32
    return %arg0, %c0_i32 : i32, i32
  }
  func.func @transform_1(%arg0: i32) -> (i32, i32) {
    %c0_i32 = arith.constant 0 : i32
    %c0_i32_0 = arith.constant 0 : i32
    %c0_i32_1 = arith.constant 0 : i32
    return %c0_i32, %c0_i32_0 : i32, i32
  }
  func.func @transform_2(%arg0: i32) -> (i32, i32) {
    %c0_i32 = arith.constant 0 : i32
    %c0_i32_0 = arith.constant 0 : i32
    %c0_i32_1 = arith.constant 0 : i32
    return %c0_i32, %c0_i32_0 : i32, i32
  }
  func.func @transform_3(%arg0: i32) -> (i32, i32) {
    %c0_i32 = arith.constant 0 : i32
    %c0_i32_0 = arith.constant 0 : i32
    return %arg0, %c0_i32 : i32, i32
  }
}

module attributes {stable_mosaic.version = 14 : i64} {
  func.func @_tc_fin_body(%arg0: i32, %arg1: memref<1000x128xf32, #tpu.memory_space<vmem>>, %arg2: memref<1000x128xf32, #tpu.memory_space<vmem>>, %arg3: memref<1000x128xf32, #tpu.memory_space<vmem>>, %arg4: memref<1000x128xf32, #tpu.memory_space<vmem>>, %arg5: memref<1000x128xf32, #tpu.memory_space<vmem>>, %arg6: memref<1000x128xf32, #tpu.memory_space<vmem>>) attributes {dimension_semantics = [#tpu.dimension_semantics<arbitrary>], iteration_bounds = array<i64: 10>, scalar_prefetch = 0 : i64, scratch_operands = 0 : i64, tpu.core_type = #tpu.core_type<tc>, window_params = [{transform_indices = @transform_0, window_bounds = array<i64: 1000, 128>}, {transform_indices = @transform_1, window_bounds = array<i64: 1000, 128>}, {transform_indices = @transform_2, window_bounds = array<i64: 1000, 128>}, {transform_indices = @transform_3, window_bounds = array<i64: 1000, 128>}, {transform_indices = @transform_4, window_bounds = array<i64: 1000, 128>}, {transform_indices = @transform_5, window_bounds = array<i64: 1000, 128>}]} {
    %get3A = arith.constant 0 : index
    %get3A_0 = arith.constant 0 : index
    %get3A_1 = vector.load %arg4[%get3A, %get3A_0] : memref<1000x128xf32, #tpu.memory_space<vmem>>, vector<1000x1xf32>
    %get3A_2 = arith.constant 0 : index
    %get3A_3 = arith.constant 0 : index
    %get3A_4 = vector.load %arg5[%get3A_2, %get3A_3] : memref<1000x128xf32, #tpu.memory_space<vmem>>, vector<1000x1xf32>
    %add3A = arith.addf %get3A_1, %get3A_4 : vector<1000x1xf32>
    %max3A = arith.constant 1.000000e+00 : f32
    %max3A_5 = vector.broadcast %max3A : f32 to vector<1000x1xf32>
    %max3A_6 = arith.maximumf %add3A, %max3A_5 : vector<1000x1xf32>
    %get3A_7 = arith.constant 0 : index
    %get3A_8 = arith.constant 0 : index
    %get3A_9 = vector.load %arg1[%get3A_7, %get3A_8] : memref<1000x128xf32, #tpu.memory_space<vmem>>, vector<1000x128xf32>
    %get3A_10 = arith.constant 0 : index
    %get3A_11 = arith.constant 0 : index
    %get3A_12 = vector.load %arg2[%get3A_10, %get3A_11] : memref<1000x128xf32, #tpu.memory_space<vmem>>, vector<1000x128xf32>
    %get3A_13 = arith.constant 0 : index
    %get3A_14 = arith.constant 0 : index
    %get3A_15 = vector.load %arg3[%get3A_13, %get3A_14] : memref<1000x128xf32, #tpu.memory_space<vmem>>, vector<1000x128xf32>
    %add3A_16 = arith.addf %get3A_12, %get3A_15 : vector<1000x128xf32>
    %div3A = vector.broadcast %max3A_6 : vector<1000x1xf32> to vector<1000x128xf32>
    %div3A_17 = arith.divf %add3A_16, %div3A : vector<1000x128xf32>
    %add3A_18 = arith.addf %get3A_9, %div3A_17 : vector<1000x128xf32>
    %swap3A = arith.constant 0 : index
    %swap3A_19 = arith.constant 0 : index
    %swap3A_20 = vector.load %arg6[%swap3A, %swap3A_19] : memref<1000x128xf32, #tpu.memory_space<vmem>>, vector<1000x128xf32>
    tpu.vector_store %arg6[%swap3A, %swap3A_19], %add3A_18 {strides = array<i32>} : memref<1000x128xf32, #tpu.memory_space<vmem>>, vector<1000x128xf32>,
    return
  }
  func.func @transform_0(%arg0: i32) -> (i32, i32) {
    %c0_i32 = arith.constant 0 : i32
    %c0_i32_0 = arith.constant 0 : i32
    return %arg0, %c0_i32 : i32, i32
  }
  func.func @transform_1(%arg0: i32) -> (i32, i32) {
    %c0_i32 = arith.constant 0 : i32
    %c0_i32_0 = arith.constant 0 : i32
    return %arg0, %c0_i32 : i32, i32
  }
  func.func @transform_2(%arg0: i32) -> (i32, i32) {
    %c0_i32 = arith.constant 0 : i32
    %c0_i32_0 = arith.constant 0 : i32
    return %arg0, %c0_i32 : i32, i32
  }
  func.func @transform_3(%arg0: i32) -> (i32, i32) {
    %c0_i32 = arith.constant 0 : i32
    %c0_i32_0 = arith.constant 0 : i32
    return %arg0, %c0_i32 : i32, i32
  }
  func.func @transform_4(%arg0: i32) -> (i32, i32) {
    %c0_i32 = arith.constant 0 : i32
    %c0_i32_0 = arith.constant 0 : i32
    return %arg0, %c0_i32 : i32, i32
  }
  func.func @transform_5(%arg0: i32) -> (i32, i32) {
    %c0_i32 = arith.constant 0 : i32
    %c0_i32_0 = arith.constant 0 : i32
    return %arg0, %c0_i32 : i32, i32
  }
}

</mosaic_0001>

<sc_bundles>
// kernel: kernel.11.cloned.1.call-start
scs
__scs_entry_jumppad:
0x0: {  	(pc) =	sbr.rel $0x88, $3  }
0x1: {  	(tag) =	ssettag $0x0;
	lr =	simm.s32 $0x1  }
0x2: {  	[smem:$0x3F99] =	sst lr;
	_ =	strace $0xD0000000  }
0x3: {  	_ = 	snop  }
0x4: {  	_ = 	snop  }
0x5: {  	_ = 	snop  }
0x6: {  	_ = 	snop  }
0x7: {  	_ = 	snop  }
__scs_overlays_trampoline_lowered:
0x8: {  	[smem:$0x3FA8] =	sst s0  }
0x9: {  	[smem:$0x3FA9] =	sst s1  }
0xa: {  	[smem:$0x3FAA] =	sst s2  }
0xb: {  	[smem:$0x3FAB] =	sst s3  }
0xc: {  	[smem:$0x3FAC] =	sst s4  }
0xd: {  	[smem:$0x3FAD] =	sst s5  }
0xe: {  	[smem:$0x3FAE] =	sst s6  }
0xf: {  	[smem:$0x3FAF] =	sst s7  }
0x10: {  	[smem:$0x3FB0] =	sst s8  }
0x11: {  	[smem:$0x3FB1] =	sst s9;
	s0 =	simm.s32 @!p0 $0x0  }
0x12: {  	s1 =	sld [smem:$0x3F97];
	s0 =	simm.s32 @p0 $0x1  }
0x13: {  	[smem:$0x3FB2] =	sst s0;
	s0 =	simm.s32 @!p1 $0x0  }
0x14: {  	s2 =	sld [smem:$0x3F96];
	s0 =	simm.s32 @p1 $0x1  }
0x15: {  	[smem:$0x3FB3] =	sst s0;
	s0 =	simm.s32 @!p2 $0x0  }
0x16: {  	s3 =	sld [smem:$0x3FDB];
	s0 =	simm.s32 @p2 $0x1  }
0x17: {  	s4 =	simm.s32 $0x1BF5;
	[smem:$0x3FB5] =	sst s0  }
0x18: {  	s0 =	sld [smem:$0x3F98];
	_ =	swait.ge [sflag:s4], $0x0  }
0x19: {  	s7 =	sld [smem:$0x3F99]  }
0x1a: {  	s8 =	sadd.s32 $0xFFFFE003, lr  }
0x1b: {  	s9 =	sadd.s32 $0xFFFFFEF7, lr;
	s5 =	simm.s32 $0xFFFFFFFF;
	p2 =	slt.u32 s8, $0xFFFFF086  }
0x1c: {  	p1 =	slt.u32 s9, $0xF7A;
	s5 =	simm.s32 @!p2 $0x0  }
0x1d: {  	s5 =	simm.s32 @p1 $0x1;
	p0 =	seq.s32 s7, s2  }
0x1e: {  	s7 =	smul.u32 @!p0 $0xF7A, s2;
	p2 =	seq.s32 @!p0 s5, $0x0  }
0x1f: {  	s9 =	smul.u32 $0xF7A, s1;
	s8 =	simm.s32 @!p0 $0x1BF5;
	p2 =	por !p2, p0  }
0x20: {  	[sflag:s8] =	ssyncset.s32 @!p0 $0xFFFFF086;
	s6 =	sadd.s32 @!p0 s3, s7;
	s7 =	simm.s32 @!p0 $0x108  }
0x21: {  	s3 =	sadd.s32 s3, s9;
	s6 =	sadd.s32 @!p0 $0x88, s6;
	s7 =	simm.s32 @p2 $0x1082  }
0x22: {  	[simem:s7], [sflag:s8] =	dma.local @!p0 [hbm:s6], $0xF7A  }
0x23: {  	s9 =	sor.u32 $0xD0000000, s2;
	s6 =	simm.s32 $0x108;
	_ =	swait.ge @!p0 [sflag:s8], $0x0  }
0x24: {  	s3 =	sadd.s32 $0x88, s3;
	s6 =	simm.s32 @!p1 $0x1082;
	[sflag:s4] =	ssyncset.s32 $0xFFFFF086  }
0x25: {  	[simem:s6], [sflag:s4] =	dma.local [hbm:s3], $0xF7A  }
0x26: {  	[smem:$0x3F99] =	sst s1;
	(tag) =	ssettag s2;
	_ =	strace s9  }
0x27: {  	s1 =	sld [smem:$0x3FA9]  }
0x28: {  	s2 =	sld [smem:$0x3FAA]  }
0x29: {  	s4 =	sld [smem:$0x3FAC]  }
0x2a: {  	p0 =	seq.s32 s5, $0x0;
	s5 =	sld [smem:$0x3FAD]  }
0x2b: {  	s6 =	sld [smem:$0x3FAE]  }
0x2c: {  	s7 =	sld [smem:$0x3FAF]  }
0x2d: {  	s3 =	simm.s32 $0x108;
	s8 =	sld [smem:$0x3FB0]  }
0x2e: {  	s3 =	simm.s32 @!p0 $0x1082;
	s9 =	sld [smem:$0x3FB1]  }
0x2f: {  	lr =	sadd.s32 s0, s3;
	s0 =	sld [smem:$0x3FA8]  }
0x30: {  	s3 =	sld [smem:$0x3FAB]  }
0x31: {  	[smem:$0x3FB4] =	sst s10  }
0x32: {  	s10 =	sld [smem:$0x3FB2];
	_ =	sdelay $0x3  }
0x33: {  	p0 =	seq.s32 s10, $0x1;
	s10 =	sld [smem:$0x3FB4];
	_ =	sdelay $0x3  }
0x34: {  	[smem:$0x3FB4] =	sst s10  }
0x35: {  	s10 =	sld [smem:$0x3FB3];
	_ =	sdelay $0x3  }
0x36: {  	p1 =	seq.s32 s10, $0x1;
	s10 =	sld [smem:$0x3FB4];
	_ =	sdelay $0x3  }
0x37: {  	[smem:$0x3FB4] =	sst s10  }
0x38: {  	s10 =	sld [smem:$0x3FB5]  }
0x39: {  	_ = 	snop;
	(pc) =	sbr.ind lr, $3  }
0x3a: {  	_ = 	snop  }
0x3b: {  	_ = 	snop  }
0x3c: {  	p2 =	seq.s32 s10, $0x1;
	s10 =	sld [smem:$0x3FB4]  }
0x3d: {  	_ =	shalt  }
0x3e: {  	_ =	shalt  }
0x3f: {  	_ =	shalt  }
0x40: {  	_ =	shalt  }
0x41: {  	_ =	shalt  }
0x42: {  	_ =	shalt  }
0x43: {  	_ =	shalt  }
0x44: {  	_ =	shalt  }
0x45: {  	_ =	shalt  }
0x46: {  	_ =	shalt  }
0x47: {  	_ =	shalt  }
0x48: {  	_ =	shalt  }
0x49: {  	_ =	shalt  }
0x4a: {  	_ =	shalt  }
0x4b: {  	_ =	shalt  }
0x4c: {  	_ =	shalt  }
0x4d: {  	_ =	shalt  }
0x4e: {  	_ =	shalt  }
0x4f: {  	_ =	shalt  }
0x50: {  	_ =	shalt  }
0x51: {  	_ =	shalt  }
0x52: {  	_ =	shalt  }
0x53: {  	_ =	shalt  }
0x54: {  	_ =	shalt  }
0x55: {  	_ =	shalt  }
0x56: {  	_ =	shalt  }
0x57: {  	_ =	shalt  }
0x58: {  	_ =	shalt  }
0x59: {  	_ =	shalt  }
0x5a: {  	_ =	shalt  }
0x5b: {  	_ =	shalt  }
0x5c: {  	_ =	shalt  }
0x5d: {  	_ =	shalt  }
0x5e: {  	_ =	shalt  }
0x5f: {  	_ =	shalt  }
0x60: {  	_ =	shalt  }
0x61: {  	_ =	shalt  }
0x62: {  	_ =	shalt  }
0x63: {  	_ =	shalt  }
0x64: {  	_ =	shalt  }
0x65: {  	_ =	shalt  }
0x66: {  	_ =	shalt  }
0x67: {  	_ =	shalt  }
0x68: {  	_ =	shalt  }
0x69: {  	_ =	shalt  }
0x6a: {  	_ =	shalt  }
0x6b: {  	_ =	shalt  }
0x6c: {  	_ =	shalt  }
0x6d: {  	_ =	shalt  }
0x6e: {  	_ =	shalt  }
0x6f: {  	_ =	shalt  }
0x70: {  	_ =	shalt  }
0x71: {  	_ =	shalt  }
0x72: {  	_ =	shalt  }
0x73: {  	_ =	shalt  }
0x74: {  	_ =	shalt  }
0x75: {  	_ =	shalt  }
0x76: {  	_ =	shalt  }
0x77: {  	_ =	shalt  }
0x78: {  	_ =	shalt  }
0x79: {  	_ =	shalt  }
0x7a: {  	_ =	shalt  }
0x7b: {  	_ =	shalt  }
0x7c: {  	_ =	shalt  }
0x7d: {  	_ =	shalt  }
0x7e: {  	_ =	shalt  }
0x7f: {  	_ =	shalt  }
0x80: {  	_ =	shalt  }
0x81: {  	_ =	shalt  }
0x82: {  	_ =	shalt  }
0x83: {  	_ =	shalt  }
0x84: {  	_ =	shalt  }
0x85: {  	_ =	shalt  }
0x86: {  	_ =	shalt  }
0x87: {  	_ =	shalt  }
.Lfunc_end0:
.L_simem_size_0:
called_computation.1_lowered:
.L_overlay_start_0:
0x88: {  	s2 =	sld [smem:$0x3FD9]  }
0x89: {  	s3 =	sld [smem:$0x3FFE];
	_ =	sdelay $0x1  }
0x8a: {  	s1 =	srdreg.scid  }
0x8b: {  	s0 =	sand.u32 $0x1, s1  }
0x8c: {  	s17 =	sshll.u32 s0, $0xA;
	s2 =	sadd.s32 s3, s2  }
0x8d: {  	s2 =	sadd.s32 s2, s17  }
0x8e: {  	[smem:$0x3FC0] =	sst s2  }
0x8f: {  	_ = 	snop  }
0x90: {  	s2 =	sld [smem:$0x3FD0];
	(tm) =	ssettm $0x1  }
0x91: {  	s18 =	sld [smem:$0x3FFB];
	_ =	sdelay $0x3  }
0x92: {  	_ =	strace s18  }
0x93: {  	s3 =	sld [smem:$0x3FFC];
	_ =	sdelay $0x3  }
0x94: {  	_ =	strace s3  }
0x95: {  	s3 =	sld [smem:$0x3FFD];
	_ =	sdelay $0x3  }
0x96: {  	_ =	strace s3  }
0x97: {  	_ =	strace $0x8FFFFFFF  }
0x98: {  	s19 =	sld [smem:$0x3FDB];
	_ =	sdelay $0x1  }
0x99: {  	s4 =	simm.s32 $_scs_section_size  }
0x9a: {  	s5 =	simm.s32 $_size__tile_overlayer_lowered;
	s6 =	simm.s32 $_tile_overlayer_lowered  }
0x9b: {  	s22 =	simm.s32 $0x1BFF;
	s21 =	sshll.u32 s6, $0x1;
	s3 =	sadd.s32 s4, s19  }
0x9c: {  	s7 =	simm.s32 $0x0;
	s20 =	sshll.u32 s5, $0x1;
	s5 =	sadd.s32 s21, s3  }
0x9d: {  	[timem:s7], [sflag:s22] =	dma.local [hbm:s5], s20  }
0x9e: {  	_ =	swait.ge [sflag:s22], s20  }
0x9f: {  	s4 =	ssub.s32 $0x0, s20;
	[sflag:s22] =	ssyncset.done $0x0  }
0xa0: {  	[sflag:s22] =	ssyncadd.s32 s4;
	_ =	sdelay $0x1  }
0xa1: {  	s23 =	simm.s32 $0x1B8B  }
0xa2: {  	_ =	swait.ge [sflag:s23], $0x1  }
0xa3: {  	[sflag:s23] =	ssyncset.done $0x0  }
0xa4: {  	s25 =	simm.s32 $0x1B8E;
	s24 =	sld [smem:$0x3FFE];
	[sflag:s23] =	ssyncadd.s32 $0xFFFFFFFF  }
0xa5: {  	s26 =	simm.s32 $execute0_lowered;
	[smem:$0x3FD2] =	sst s25  }
0xa6: {  	s5 =	sshll.u32 s26, $0x1;
	_ =	strace $0x80000049;
	[dreg:$0x1] =	wrdreg $0xFFFFFFFF  }
0xa7: {  	s28 =	simm.s32 $_size_execute0_lowered;
	s3 =	sadd.s32 s3, s5;
	[dreg:$0x0] =	wrdreg $0x0  }
0xa8: {  	s5 =	sshll.u32 s28, $0x1;
	[dreg:$0x2] =	wrdreg s3  }
0xa9: {  	[dreg:$0x3] =	wrdreg s5  }
0xaa: {  	[dreg:$0x4] =	wrdreg $0xC0  }
0xab: {  	_ =	task [dreg:s7], $0x5FFFF  }
0xac: {  	[dreg:$0x1] =	wrdreg $0xFFFFFFFF  }
0xad: {  	[dreg:$0x0] =	wrdreg $0x60  }
0xae: {  	[dreg:$0x2] =	wrdreg s24  }
0xaf: {  	[dreg:$0x3] =	wrdreg s2  }
0xb0: {  	[dreg:$0x4] =	wrdreg $0x52000  }
0xb1: {  	[dreg:$0x5] =	wrdreg $0x9  }
0xb2: {  	_ =	task.clear_ibuf [dreg:s7], $0x6FFFF;
	_ =	strace $0x90000049  }
0xb3: {  	s29 =	simm.s32 $0x9;
	_ =	strace $0x8000004B  }
0xb4: {  	_ =	swait.ge [sflag:s29], $0x1  }
0xb5: {  	[sflag:s29] =	ssyncadd.s32 $0xFFFFFFFF  }
0xb6: {  	_ =	strace $0x9000004B  }
0xb7: {  	_ =	sfence  }
0xb8: {  	s30 =	sld [smem:$0x0];
	_ =	sdelay $0x2  }
0xb9: {  	s31 =	sshll.u32 s1, $0xD;
	s1 =	sshrl.u32 s1, $0x2  }
0xba: {  	s3 =	sand.u32 $0x4000, s31;
	s1 =	sadd.s32 s1, s30  }
0xbb: {  	s0 =	sor.u32 s3, s0;
	s1 =	sshll.u32 s1, $0x11  }
0xbc: {  	s0 =	sor.u32 s1, s0  }
0xbd: {  	s0 =	sadd.s32 $0x8F2B, s0  }
0xbe: {  	[sflag:s0] =	ssyncadd.remote.s32 $0x1  }
0xbf: {  	_ =	sfence.sel $0xFFFF  }
0xc0: {  	[dreg:$0x0] =	wrdreg $0xFFFFFFFF;
	(pc) =	sbr.abs _section_cstart, $3  }
0xc1: {  	[dreg:$0x1] =	wrdreg $0xFFFFFFFF  }
0xc2: {  	_ =	task.clear_ibuf [dreg:s7], $0x2FFFF;
	_ =	strace $0x9FFFFFFF  }
0xc3: {  	(tm) =	ssettm $0x7FFFFFFF  }
tec
execute0_lowered:
.L_overlay_start_1:
0x0: {  	(tag) =	ssettag $0x1  }
0x1: {  	s0 =	rddreg [dreg:$0x0]  }
0x2: {  	s4 =	rddreg [dreg:$0x1]  }
0x3: {  	s1 =	rddreg [dreg:$0x2]  }
0x4: {  	s2 =	simm.s32 $0x0;
	s6 =	srdreg.scid;
	s8 =	stileid.u32  }
0x5: {  	s28 =	simm.s32 $0x180;
	s29 =	simm.s32 $0x1;
	s30 =	simm.s32 $0x2A00  }
0x6: {  	s31 =	simm.s32 $0x2;
	[smem:$0x7FF] =	sst s2;
	s5 =	sadd.s32 $0xCE00, s0  }
0x7: {  	s7 =	sadd.s32 $0x3000, s0;
	s3 =	sadd.s32 $0x64E00, s0;
	s11 =	smul.u32 $0x4E000, s8  }
0x8: {  	s0 =	sadd.s32 $0x8C000, s0;
	s9 =	sand.u32 $0x1, s6;
	s13 =	smul.u32 $0x13800, s8  }
0x9: {  	s15 =	sshll.u32 s8, $0x6;
	s17 =	sadd.s32 $0x138000, s1;
	s22 =	smul.u32 $0x2710, s8  }
0xa: {  	p0 =	sne.s32 s8, $0x0;
	_ =	strace $0x8000004A;
	s6 =	ssub.s32 $0x2, s9  }
0xb: {  	s10 =	sshll.u32 s9, $0x4;
	s16 =	smul.u32 $0x138800, s9;
	[dreg:$0x6] =	wrdreg s17  }
0xc: {  	s9 =	smul.u32 $0x27100, s9;
	s12 =	sshrl.u32 s6, $0x1;
	s10 =	sor.u32 s8, s10  }
0xd: {  	s11 =	sshrl.u32 s11, $0x2;
	s14 =	ssub.s32 s6, s12;
	s10 =	smul.u32 $0x2710, s10  }
0xe: {  	s6 =	sadd.s32 s11, s1;
	s12 =	sshrl.u32 s13, $0x3;
	s20 =	sadd.s32 s13, s16  }
0xf: {  	s21 =	sshrl.u32 s16, $0x3;
	s9 =	sadd.s32 s22, s9;
	s22 =	simm.s32 $0x5  }
0x10: {  	[dreg:$0x4] =	wrdreg s6;
	s6 =	sadd.s32 s4, s12;
	s4 =	sadd.s32 $0x27000, s4  }
0x11: {  	s13 =	smax.u32 s14, $0x1;
	s24 =	sadd.s32 $0x140, s9;
	s25 =	sadd.s32 $0xF0, s9  }
0x12: {  	[dreg:$0x5] =	wrdreg s6;
	s6 =	sor.u32 $0x1C05, s15;
	s18 =	sshrl.u32 s10, $0x3  }
0x13: {  	[dreg:$0x7] =	wrdreg s4;
	s26 =	sshrl.u32 s25, $0x3;
	s10 =	sadd.s32 s5, s18  }
0x14: {  	s25 =	simm.s32 $0x200;
	s19 =	sadd.s32 s7, s18;
	[dreg:$0x8] =	wrdreg s10  }
0x15: {  	s23 =	sadd.s32 $0xA, s18;
	s4 =	sadd.s32 $0x14, s18;
	[dreg:$0x9] =	wrdreg s19  }
0x16: {  	s10 =	sshrl.u32 s20, $0x3;
	s14 =	sadd.s32 s5, s23;
	s15 =	sadd.s32 s7, s23  }
0x17: {  	s16 =	sadd.s32 s5, s4;
	s17 =	sadd.s32 s7, s4;
	s20 =	sadd.s32 s26, s7  }
.Ltmp0:
0x18: {  	s23 =	simm.s32 $0x100;
	s4 =	simm.s32 $0x3;
	(pc) =	sbr.rel .LBB2_1-.Ltmp0, $4  }
0x19: {  	s10 =	sadd.s32 s0, s10;
	s0 =	sadd.s32 s0, s21;
	s21 =	sadd.s32 s26, s5  }
0x1a: {  	s26 =	simm.s32 $0x80;
	s12 =	sadd.s32 $0x27000, s0;
	s0 =	sshrl.u32 s24, $0x3  }
0x1b: {  	[dreg:$0xa] =	wrdreg s10;
	s24 =	simm.s32 $0x50;
	s18 =	sadd.s32 s0, s7  }
0x1c: {  	s19 =	sadd.s32 s0, s5;
	s0 =	simm.s32 $0x4;
	s5 =	simm.s32 $0x0  }
.LBB2_9:
0x1d: {  	_ =	swait.ge [sflag:s31], $0x2800  }
0x1e: {  	[sflag:s31] =	ssyncset.done $0x0  }
0x1f: {  	[sflag:s31] =	ssyncadd.s32 $0xFFFFD800  }
0x20: {  	[spmem:s1] =	stream.indirect.scatter.add.f32 [tilespmem:s30], [sflag:$0x4], $0x80, s28, s24, $0xb8;
	[tilespmem:$0x18A80] =	vst v63  }
.LBB2_7:
0x21: {  	_ =	swait.ge [sflag:s4], $0x2800  }
0x22: {  	[sflag:s4] =	ssyncset.done $0x0  }
0x23: {  	[sflag:s4] =	ssyncadd.s32 $0xFFFFD800  }
0x24: {  	[bflag:$0x0] =	sbarrier.arrive $0xFFFF  }
0x25: {  	s9 =	rddreg [dreg:$0xa]  }
0x26: {  	[hbm:s9], [sflag:s6] =	dma.local [spmem:s7], $0x2700  }
0x27: {  	s5 =	sadd.s32 $0x1, s5;
	_ =	swait.ge [sflag:s22], $0x2700  }
0x28: {  	p1 =	sne.s32 s5, s13;
	[sflag:s22] =	ssyncset.done $0x0  }
.Ltmp1:
0x29: {  	s7 =	simm.s32 @!p0 $0x5;
	[sflag:s22] =	ssyncadd.s32 $0xFFFFD900;
	(pc) =	sbr.rel @!p1 .LBB2_8-.Ltmp1, $4  }
0x2a: {  	[hbm:s12], [sflag:s6] =	dma.local @!p0 [spmem:s8], $0x100  }
0x2b: {  	_ =	swait.ge @!p0 [sflag:s7], $0x100  }
0x2c: {  	[sflag:s7] =	ssyncset.done @!p0 $0x0  }
0x2d: {  	[sflag:s7] =	ssyncadd.s32 @!p0 $0xFFFFFF00  }
.LBB2_1:
0x2e: {  	s7 =	rddreg [dreg:$0x4]  }
0x2f: {  	s8 =	rddreg [dreg:$0x5];
	s7 =	sshrl.u32 s7, $0x3  }
0x30: {  	[spmem:s7], [sflag:s6] =	dma.local [hbm:s8], $0x2700  }
0x31: {  	_ =	swait.ge [sflag:s22], $0x2700  }
0x32: {  	[sflag:s22] =	ssyncset.done $0x0;
	s8 =	rddreg [dreg:$0x6]  }
0x33: {  	s9 =	rddreg [dreg:$0x7];
	[sflag:s22] =	ssyncadd.s32 $0xFFFFD900;
	s8 =	sshrl.u32 @!p0 s8, $0x3  }
0x34: {  	[spmem:s8], [sflag:s6] =	dma.local @!p0 [hbm:s9], $0x100  }
0x35: {  	s9 =	simm.s32 @!p0 $0x5  }
0x36: {  	_ =	swait.ge @!p0 [sflag:s9], $0x100  }
0x37: {  	[sflag:s9] =	ssyncset.done @!p0 $0x0  }
0x38: {  	[sflag:s9] =	ssyncadd.s32 @!p0 $0xFFFFFF00  }
0x39: {  	[bflag:$0x0] =	sbarrier.arrive $0xFFFF  }
0x3a: {  	s10 =	rddreg [dreg:$0x8]  }
0x3b: {  	[tilespmem:s2], [sflag:$0x5] =	stream.linear.gather [hbm4b:s10+s2], $0x50, $0x38;
	[tilespmem:$0x18A80] =	vst v63  }
0x3c: {  	_ =	swait.ge [sflag:s22], $0x50  }
0x3d: {  	[sflag:s22] =	ssyncset.done $0x0  }
0x3e: {  	s11 =	rddreg [dreg:$0x9];
	[sflag:s22] =	ssyncadd.s32 $0xFFFFFFB0  }
0x3f: {  	[tilespmem:s23], [sflag:$0x5] =	stream.linear.gather [hbm4b:s11+s2], $0x50, $0x38;
	[tilespmem:$0x18A80] =	vst v63  }
0x40: {  	_ =	swait.ge [sflag:s22], $0x50  }
0x41: {  	[sflag:s22] =	ssyncset.done $0x0  }
0x42: {  	[sflag:s22] =	ssyncadd.s32 $0xFFFFFFB0  }
0x43: {  	[tilespmem:s25], [sflag:$0x1] =	stream.indirect.gather [hbm4b:s3+s24], $0x80, s2, s24, $0xb8;
	[tilespmem:$0x18A80] =	vst v63  }
0x44: {  	_ = 	snop  }
0x45: {  	[tilespmem:s26], [sflag:$0x5] =	stream.linear.gather [hbm4b:s14+s2], $0x50, $0x38;
	[tilespmem:$0x18A80] =	vst v63  }
0x46: {  	_ =	swait.ge [sflag:s22], $0x50  }
0x47: {  	[sflag:s22] =	ssyncset.done $0x0  }
0x48: {  	[sflag:s22] =	ssyncadd.s32 $0xFFFFFFB0  }
0x49: {  	[tilespmem:s28], [sflag:$0x5] =	stream.linear.gather [hbm4b:s15+s2], $0x50, $0x38;
	[tilespmem:$0x18A80] =	vst v63  }
0x4a: {  	_ =	swait.ge [sflag:s22], $0x50  }
0x4b: {  	[sflag:s22] =	ssyncset.done $0x0  }
0x4c: {  	[sflag:s22] =	ssyncadd.s32 $0xFFFFFFB0  }
0x4d: {  	_ =	swait.ge [sflag:s29], $0x2800  }
0x4e: {  	[sflag:s29] =	ssyncset.done $0x0  }
0x4f: {  	[sflag:s29] =	ssyncadd.s32 $0xFFFFD800  }
0x50: {  	[spmem:s1] =	stream.indirect.scatter.add.f32 [tilespmem:s25], [sflag:$0x3], $0x80, s23, s24, $0xb8;
	[tilespmem:$0x18A80] =	vst v63  }
0x51: {  	_ = 	snop  }
0x52: {  	[tilespmem:s30], [sflag:$0x2] =	stream.indirect.gather [hbm4b:s3+s24], $0x80, s26, s24, $0xb8;
	[tilespmem:$0x18A80] =	vst v63  }
0x53: {  	_ =	swait.ge [sflag:s4], $0x2800  }
0x54: {  	[sflag:s4] =	ssyncset.done $0x0  }
0x55: {  	[sflag:s4] =	ssyncadd.s32 $0xFFFFD800  }
0x56: {  	[tilespmem:s2], [sflag:$0x5] =	stream.linear.gather [hbm4b:s16+s2], $0x50, $0x38;
	[tilespmem:$0x18A80] =	vst v63  }
0x57: {  	_ =	swait.ge [sflag:s22], $0x50  }
0x58: {  	[sflag:s22] =	ssyncset.done $0x0  }
0x59: {  	[sflag:s22] =	ssyncadd.s32 $0xFFFFFFB0  }
0x5a: {  	[tilespmem:s23], [sflag:$0x5] =	stream.linear.gather [hbm4b:s17+s2], $0x50, $0x38;
	[tilespmem:$0x18A80] =	vst v63  }
0x5b: {  	_ =	swait.ge [sflag:s22], $0x50  }
0x5c: {  	[sflag:s22] =	ssyncset.done $0x0  }
0x5d: {  	[sflag:s22] =	ssyncadd.s32 $0xFFFFFFB0  }
0x5e: {  	_ =	swait.ge [sflag:s31], $0x2800  }
.Ltmp2:
0x5f: {  	[sflag:s31] =	ssyncset.done $0x0;
	(pc) =	sbr.rel .LBB2_2-.Ltmp2, $4  }
0x60: {  	[sflag:s31] =	ssyncadd.s32 $0xFFFFD800  }
0x61: {  	[spmem:s1] =	stream.indirect.scatter.add.f32 [tilespmem:s30], [sflag:$0x4], $0x80, s28, s24, $0xb8;
	[tilespmem:$0x18A80] =	vst v63  }
0x62: {  	s9 =	simm.s32 $0x3;
	s10 =	simm.s32 $0x0  }
0x63: {  	[tilespmem:s25], [sflag:$0x1] =	stream.indirect.gather [hbm4b:s3+s24], $0x80, s2, s24, $0xb8;
	[tilespmem:$0x18A80] =	vst v63  }
.LBB2_3:
0x64: {  	_ =	swait.ge [sflag:s29], $0x2800  }
0x65: {  	[sflag:s29] =	ssyncset.done $0x0  }
0x66: {  	[sflag:s29] =	ssyncadd.s32 $0xFFFFD800  }
0x67: {  	[spmem:s1] =	stream.indirect.scatter.add.f32 [tilespmem:s25], [sflag:$0x3], $0x80, s23, s24, $0xb8;
	[tilespmem:$0x18A80] =	vst v63  }
.LBB2_6:
0x68: {  	s10 =	sadd.s32 $0x14, s10  }
0x69: {  	p1 =	sne.s32 s10, $0x4D8  }
.Ltmp3:
0x6a: {  	_ = 	snop;
	(pc) =	sbr.rel @!p1 .LBB2_7-.Ltmp3, $2  }
0x6b: {  	_ =	sdelay $0x2  }
0x6c: {  	s9 =	sadd.s32 $0x2, s9  }
.LBB2_2:
0x6d: {  	p1 =	slt.u32 s9, $0x7D  }
.Ltmp4:
0x6e: {  	_ = 	snop;
	(pc) =	sbr.rel @!p1 .LBB2_3-.Ltmp4, $4  }
0x6f: {  	_ = 	snop  }
0x70: {  	_ =	swait.ge [sflag:s0], $0x2800  }
0x71: {  	[sflag:s0] =	ssyncset.done $0x0  }
0x72: {  	[sflag:s0] =	ssyncadd.s32 $0xFFFFD800  }
0x73: {  	s11 =	sadd.s32 s10, s21  }
0x74: {  	[tilespmem:s26], [sflag:$0x5] =	stream.linear.gather [hbm4b:s11+s2], $0x50, $0x38;
	[tilespmem:$0x18A80] =	vst v63  }
0x75: {  	_ =	swait.ge [sflag:s22], $0x50  }
0x76: {  	[sflag:s22] =	ssyncset.done $0x0  }
0x77: {  	s11 =	sadd.s32 s10, s20;
	[sflag:s22] =	ssyncadd.s32 $0xFFFFFFB0  }
0x78: {  	[tilespmem:s28], [sflag:$0x5] =	stream.linear.gather [hbm4b:s11+s2], $0x50, $0x38;
	[tilespmem:$0x18A80] =	vst v63  }
0x79: {  	_ =	swait.ge [sflag:s22], $0x50  }
0x7a: {  	[sflag:s22] =	ssyncset.done $0x0  }
0x7b: {  	[sflag:s22] =	ssyncadd.s32 $0xFFFFFFB0  }
0x7c: {  	_ =	swait.ge [sflag:s29], $0x2800  }
0x7d: {  	[sflag:s29] =	ssyncset.done $0x0  }
0x7e: {  	p1 =	seq.s32 s10, $0x4C4;
	[sflag:s29] =	ssyncadd.s32 $0xFFFFD800  }
0x7f: {  	[spmem:s1] =	stream.indirect.scatter.add.f32 [tilespmem:s25], [sflag:$0x3], $0x80, s23, s24, $0xb8;
	[tilespmem:$0x18A80] =	vst v63  }
.Ltmp5:
0x80: {  	_ = 	snop;
	(pc) =	sbr.rel @p1 .LBB2_9-.Ltmp5, $4  }
0x81: {  	[tilespmem:s30], [sflag:$0x2] =	stream.indirect.gather [hbm4b:s3+s24], $0x80, s26, s24, $0xb8;
	[tilespmem:$0x18A80] =	vst v63  }
0x82: {  	_ =	swait.ge [sflag:s4], $0x2800  }
0x83: {  	[sflag:s4] =	ssyncset.done $0x0  }
0x84: {  	[sflag:s4] =	ssyncadd.s32 $0xFFFFD800  }
0x85: {  	s11 =	sadd.s32 s10, s19  }
0x86: {  	[tilespmem:s2], [sflag:$0x5] =	stream.linear.gather [hbm4b:s11+s2], $0x50, $0x38;
	[tilespmem:$0x18A80] =	vst v63  }
0x87: {  	_ =	swait.ge [sflag:s22], $0x50  }
0x88: {  	[sflag:s22] =	ssyncset.done $0x0  }
0x89: {  	s11 =	sadd.s32 s10, s18;
	[sflag:s22] =	ssyncadd.s32 $0xFFFFFFB0  }
0x8a: {  	[tilespmem:s23], [sflag:$0x5] =	stream.linear.gather [hbm4b:s11+s2], $0x50, $0x38;
	[tilespmem:$0x18A80] =	vst v63  }
0x8b: {  	_ =	swait.ge [sflag:s22], $0x50  }
0x8c: {  	[sflag:s22] =	ssyncset.done $0x0  }
0x8d: {  	[sflag:s22] =	ssyncadd.s32 $0xFFFFFFB0  }
0x8e: {  	_ =	swait.ge [sflag:s31], $0x2800  }
.Ltmp6:
0x8f: {  	[sflag:s31] =	ssyncset.done $0x0;
	(pc) =	sbr.rel .LBB2_6-.Ltmp6, $4  }
0x90: {  	[sflag:s31] =	ssyncadd.s32 $0xFFFFD800  }
0x91: {  	[spmem:s1] =	stream.indirect.scatter.add.f32 [tilespmem:s30], [sflag:$0x4], $0x80, s28, s24, $0xb8;
	[tilespmem:$0x18A80] =	vst v63  }
0x92: {  	_ = 	snop  }
0x93: {  	[tilespmem:s25], [sflag:$0x1] =	stream.indirect.gather [hbm4b:s3+s24], $0x80, s2, s24, $0xb8;
	[tilespmem:$0x18A80] =	vst v63  }
.LBB2_8:
0x94: {  	_ =	sfence.sel $0x180000  }
0x95: {  	[bflag:$0x0] =	sbarrier.arrive $0xFFFF  }
0x96: {  	_ =	strace $0x9000004A  }
0x97: {  	[bflag:$0x2] =	sbarrier.arrive $0xFFFF  }
0x98: {  	s0 =	rddreg [dreg:$0x3]  }
0x99: {  	s0 =	sadd.s32 @!p0 $0x100000, s0  }
0x9a: {  	[sflag:s0] =	ssyncadd.tile.s32 @!p0 $0x1;
	_ =	shalt  }
.Lfunc_end2:
_tile_overlayer_lowered:
.L_overlay_start_2:
0x9b: {  	(tag) =	ssettag $0x2  }
0x9c: {  	s0 =	rddreg [dreg:$0x0];
	s2 =	stileid.u32  }
0x9d: {  	s1 =	rddreg [dreg:$0x1];
	p0 =	sne.s32 s2, $0x0  }
0x9e: {  	s3 =	rddreg [dreg:$0x2];
	[bflag:$0x3] =	sbarrier.arrive $0xFFFF;
	s2 =	simm.s32 @!p0 $0x1C05  }
0x9f: {  	[timem:s3], [sflag:s2] =	dma.local @!p0 [hbm:s0], s1  }
0xa0: {  	s0 =	simm.s32 @!p0 $0x5  }
0xa1: {  	_ =	swait.ge @!p0 [sflag:s0], s1  }
0xa2: {  	s1 =	ssub.s32 @!p0 $0x0, s1;
	[sflag:s0] =	ssyncset.done @!p0 $0x0  }
0xa3: {  	[sflag:s0] =	ssyncadd.s32 @!p0 s1  }
0xa4: {  	[bflag:$0x3] =	sbarrier.arrive $0xFFFF  }
0xa5: {  	_ =	shalt  }

// kernel: kernel.8.cloned.1.call-start
scs
__scs_entry_jumppad:
0x0: {  	(pc) =	sbr.rel $0x88, $3  }
0x1: {  	(tag) =	ssettag $0x0;
	lr =	simm.s32 $0x1  }
0x2: {  	[smem:$0x3F99] =	sst lr;
	_ =	strace $0xD0000000  }
0x3: {  	_ = 	snop  }
0x4: {  	_ = 	snop  }
0x5: {  	_ = 	snop  }
0x6: {  	_ = 	snop  }
0x7: {  	_ = 	snop  }
__scs_overlays_trampoline_lowered:
0x8: {  	[smem:$0x3FA8] =	sst s0  }
0x9: {  	[smem:$0x3FA9] =	sst s1  }
0xa: {  	[smem:$0x3FAA] =	sst s2  }
0xb: {  	[smem:$0x3FAB] =	sst s3  }
0xc: {  	[smem:$0x3FAC] =	sst s4  }
0xd: {  	[smem:$0x3FAD] =	sst s5  }
0xe: {  	[smem:$0x3FAE] =	sst s6  }
0xf: {  	[smem:$0x3FAF] =	sst s7  }
0x10: {  	[smem:$0x3FB0] =	sst s8  }
0x11: {  	[smem:$0x3FB1] =	sst s9;
	s0 =	simm.s32 @!p0 $0x0  }
0x12: {  	s1 =	sld [smem:$0x3F97];
	s0 =	simm.s32 @p0 $0x1  }
0x13: {  	[smem:$0x3FB2] =	sst s0;
	s0 =	simm.s32 @!p1 $0x0  }
0x14: {  	s2 =	sld [smem:$0x3F96];
	s0 =	simm.s32 @p1 $0x1  }
0x15: {  	[smem:$0x3FB3] =	sst s0;
	s0 =	simm.s32 @!p2 $0x0  }
0x16: {  	s3 =	sld [smem:$0x3FDB];
	s0 =	simm.s32 @p2 $0x1  }
0x17: {  	s4 =	simm.s32 $0x1BF5;
	[smem:$0x3FB5] =	sst s0  }
0x18: {  	s0 =	sld [smem:$0x3F98];
	_ =	swait.ge [sflag:s4], $0x0  }
0x19: {  	s7 =	sld [smem:$0x3F99]  }
0x1a: {  	s8 =	sadd.s32 $0xFFFFE003, lr  }
0x1b: {  	s9 =	sadd.s32 $0xFFFFFEF7, lr;
	s5 =	simm.s32 $0xFFFFFFFF;
	p2 =	slt.u32 s8, $0xFFFFF086  }
0x1c: {  	p1 =	slt.u32 s9, $0xF7A;
	s5 =	simm.s32 @!p2 $0x0  }
0x1d: {  	s5 =	simm.s32 @p1 $0x1;
	p0 =	seq.s32 s7, s2  }
0x1e: {  	s7 =	smul.u32 @!p0 $0xF7A, s2;
	p2 =	seq.s32 @!p0 s5, $0x0  }
0x1f: {  	s9 =	smul.u32 $0xF7A, s1;
	s8 =	simm.s32 @!p0 $0x1BF5;
	p2 =	por !p2, p0  }
0x20: {  	[sflag:s8] =	ssyncset.s32 @!p0 $0xFFFFF086;
	s6 =	sadd.s32 @!p0 s3, s7;
	s7 =	simm.s32 @!p0 $0x108  }
0x21: {  	s3 =	sadd.s32 s3, s9;
	s6 =	sadd.s32 @!p0 $0x88, s6;
	s7 =	simm.s32 @p2 $0x1082  }
0x22: {  	[simem:s7], [sflag:s8] =	dma.local @!p0 [hbm:s6], $0xF7A  }
0x23: {  	s9 =	sor.u32 $0xD0000000, s2;
	s6 =	simm.s32 $0x108;
	_ =	swait.ge @!p0 [sflag:s8], $0x0  }
0x24: {  	s3 =	sadd.s32 $0x88, s3;
	s6 =	simm.s32 @!p1 $0x1082;
	[sflag:s4] =	ssyncset.s32 $0xFFFFF086  }
0x25: {  	[simem:s6], [sflag:s4] =	dma.local [hbm:s3], $0xF7A  }
0x26: {  	[smem:$0x3F99] =	sst s1;
	(tag) =	ssettag s2;
	_ =	strace s9  }
0x27: {  	s1 =	sld [smem:$0x3FA9]  }
0x28: {  	s2 =	sld [smem:$0x3FAA]  }
0x29: {  	s4 =	sld [smem:$0x3FAC]  }
0x2a: {  	p0 =	seq.s32 s5, $0x0;
	s5 =	sld [smem:$0x3FAD]  }
0x2b: {  	s6 =	sld [smem:$0x3FAE]  }
0x2c: {  	s7 =	sld [smem:$0x3FAF]  }
0x2d: {  	s3 =	simm.s32 $0x108;
	s8 =	sld [smem:$0x3FB0]  }
0x2e: {  	s3 =	simm.s32 @!p0 $0x1082;
	s9 =	sld [smem:$0x3FB1]  }
0x2f: {  	lr =	sadd.s32 s0, s3;
	s0 =	sld [smem:$0x3FA8]  }
0x30: {  	s3 =	sld [smem:$0x3FAB]  }
0x31: {  	[smem:$0x3FB4] =	sst s10  }
0x32: {  	s10 =	sld [smem:$0x3FB2];
	_ =	sdelay $0x3  }
0x33: {  	p0 =	seq.s32 s10, $0x1;
	s10 =	sld [smem:$0x3FB4];
	_ =	sdelay $0x3  }
0x34: {  	[smem:$0x3FB4] =	sst s10  }
0x35: {  	s10 =	sld [smem:$0x3FB3];
	_ =	sdelay $0x3  }
0x36: {  	p1 =	seq.s32 s10, $0x1;
	s10 =	sld [smem:$0x3FB4];
	_ =	sdelay $0x3  }
0x37: {  	[smem:$0x3FB4] =	sst s10  }
0x38: {  	s10 =	sld [smem:$0x3FB5]  }
0x39: {  	_ = 	snop;
	(pc) =	sbr.ind lr, $3  }
0x3a: {  	_ = 	snop  }
0x3b: {  	_ = 	snop  }
0x3c: {  	p2 =	seq.s32 s10, $0x1;
	s10 =	sld [smem:$0x3FB4]  }
0x3d: {  	_ =	shalt  }
0x3e: {  	_ =	shalt  }
0x3f: {  	_ =	shalt  }
0x40: {  	_ =	shalt  }
0x41: {  	_ =	shalt  }
0x42: {  	_ =	shalt  }
0x43: {  	_ =	shalt  }
0x44: {  	_ =	shalt  }
0x45: {  	_ =	shalt  }
0x46: {  	_ =	shalt  }
0x47: {  	_ =	shalt  }
0x48: {  	_ =	shalt  }
0x49: {  	_ =	shalt  }
0x4a: {  	_ =	shalt  }
0x4b: {  	_ =	shalt  }
0x4c: {  	_ =	shalt  }
0x4d: {  	_ =	shalt  }
0x4e: {  	_ =	shalt  }
0x4f: {  	_ =	shalt  }
0x50: {  	_ =	shalt  }
0x51: {  	_ =	shalt  }
0x52: {  	_ =	shalt  }
0x53: {  	_ =	shalt  }
0x54: {  	_ =	shalt  }
0x55: {  	_ =	shalt  }
0x56: {  	_ =	shalt  }
0x57: {  	_ =	shalt  }
0x58: {  	_ =	shalt  }
0x59: {  	_ =	shalt  }
0x5a: {  	_ =	shalt  }
0x5b: {  	_ =	shalt  }
0x5c: {  	_ =	shalt  }
0x5d: {  	_ =	shalt  }
0x5e: {  	_ =	shalt  }
0x5f: {  	_ =	shalt  }
0x60: {  	_ =	shalt  }
0x61: {  	_ =	shalt  }
0x62: {  	_ =	shalt  }
0x63: {  	_ =	shalt  }
0x64: {  	_ =	shalt  }
0x65: {  	_ =	shalt  }
0x66: {  	_ =	shalt  }
0x67: {  	_ =	shalt  }
0x68: {  	_ =	shalt  }
0x69: {  	_ =	shalt  }
0x6a: {  	_ =	shalt  }
0x6b: {  	_ =	shalt  }
0x6c: {  	_ =	shalt  }
0x6d: {  	_ =	shalt  }
0x6e: {  	_ =	shalt  }
0x6f: {  	_ =	shalt  }
0x70: {  	_ =	shalt  }
0x71: {  	_ =	shalt  }
0x72: {  	_ =	shalt  }
0x73: {  	_ =	shalt  }
0x74: {  	_ =	shalt  }
0x75: {  	_ =	shalt  }
0x76: {  	_ =	shalt  }
0x77: {  	_ =	shalt  }
0x78: {  	_ =	shalt  }
0x79: {  	_ =	shalt  }
0x7a: {  	_ =	shalt  }
0x7b: {  	_ =	shalt  }
0x7c: {  	_ =	shalt  }
0x7d: {  	_ =	shalt  }
0x7e: {  	_ =	shalt  }
0x7f: {  	_ =	shalt  }
0x80: {  	_ =	shalt  }
0x81: {  	_ =	shalt  }
0x82: {  	_ =	shalt  }
0x83: {  	_ =	shalt  }
0x84: {  	_ =	shalt  }
0x85: {  	_ =	shalt  }
0x86: {  	_ =	shalt  }
0x87: {  	_ =	shalt  }
.Lfunc_end0:
.L_simem_size_0:
called_computation_lowered:
.L_overlay_start_0:
0x88: {  	s2 =	sld [smem:$0x3FD9]  }
0x89: {  	s3 =	sld [smem:$0x3FFE];
	_ =	sdelay $0x1  }
0x8a: {  	s1 =	srdreg.scid  }
0x8b: {  	s0 =	sand.u32 $0x1, s1  }
0x8c: {  	s17 =	sshll.u32 s0, $0xA;
	s2 =	sadd.s32 s3, s2  }
0x8d: {  	s2 =	sadd.s32 s2, s17  }
0x8e: {  	[smem:$0x3FC0] =	sst s2  }
0x8f: {  	_ = 	snop  }
0x90: {  	s2 =	sld [smem:$0x3FC9]  }
0x91: {  	s18 =	sld [smem:$0x3FD0];
	(tm) =	ssettm $0x1  }
0x92: {  	s4 =	sld [smem:$0x3FFB];
	_ =	sdelay $0x3  }
0x93: {  	_ =	strace s4  }
0x94: {  	s4 =	sld [smem:$0x3FFC];
	_ =	sdelay $0x3  }
0x95: {  	_ =	strace s4  }
0x96: {  	s4 =	sld [smem:$0x3FFD];
	_ =	sdelay $0x3  }
0x97: {  	_ =	strace s4  }
0x98: {  	_ =	strace $0x8FFFFFFF  }
0x99: {  	s19 =	sld [smem:$0x3FDB];
	_ =	sdelay $0x1  }
0x9a: {  	s5 =	simm.s32 $_scs_section_size  }
0x9b: {  	s6 =	simm.s32 $_size__tile_overlayer_lowered;
	s7 =	simm.s32 $_tile_overlayer_lowered  }
0x9c: {  	s22 =	simm.s32 $0x1BFF;
	s21 =	sshll.u32 s7, $0x1;
	s4 =	sadd.s32 s5, s19  }
0x9d: {  	s8 =	simm.s32 $0x0;
	s20 =	sshll.u32 s6, $0x1;
	s6 =	sadd.s32 s21, s4  }
0x9e: {  	[timem:s8], [sflag:s22] =	dma.local [hbm:s6], s20  }
0x9f: {  	_ =	swait.ge [sflag:s22], s20  }
0xa0: {  	s5 =	ssub.s32 $0x0, s20;
	[sflag:s22] =	ssyncset.done $0x0  }
0xa1: {  	[sflag:s22] =	ssyncadd.s32 s5;
	_ =	sdelay $0x1  }
0xa2: {  	s23 =	simm.s32 $0x1B8B  }
0xa3: {  	_ =	swait.ge [sflag:s23], $0x1  }
0xa4: {  	[sflag:s23] =	ssyncset.done $0x0  }
0xa5: {  	s25 =	simm.s32 $0x1B8E;
	s24 =	sld [smem:$0x3FFE];
	[sflag:s23] =	ssyncadd.s32 $0xFFFFFFFF  }
0xa6: {  	s26 =	simm.s32 $execute0_lowered;
	[smem:$0x3FD2] =	sst s25  }
0xa7: {  	s6 =	sshll.u32 s26, $0x1;
	_ =	strace $0x80000046;
	[dreg:$0x1] =	wrdreg $0xFFFFFFFF  }
0xa8: {  	s28 =	simm.s32 $_size_execute0_lowered;
	s4 =	sadd.s32 s4, s6;
	[dreg:$0x0] =	wrdreg $0x0  }
0xa9: {  	s6 =	sshll.u32 s28, $0x1;
	[dreg:$0x2] =	wrdreg s4  }
0xaa: {  	[dreg:$0x3] =	wrdreg s6  }
0xab: {  	[dreg:$0x4] =	wrdreg $0xC0  }
0xac: {  	_ =	task [dreg:s8], $0x5FFFF  }
0xad: {  	[dreg:$0x1] =	wrdreg $0xFFFFFFFF  }
0xae: {  	[dreg:$0x0] =	wrdreg $0x60  }
0xaf: {  	[dreg:$0x2] =	wrdreg s24  }
0xb0: {  	[dreg:$0x3] =	wrdreg s2  }
0xb1: {  	[dreg:$0x4] =	wrdreg s18  }
0xb2: {  	[dreg:$0x5] =	wrdreg $0x52000  }
0xb3: {  	[dreg:$0x6] =	wrdreg $0x9  }
0xb4: {  	_ =	task.clear_ibuf [dreg:s8], $0x7FFFF;
	_ =	strace $0x90000046  }
0xb5: {  	s29 =	simm.s32 $0x9;
	_ =	strace $0x80000048  }
0xb6: {  	_ =	swait.ge [sflag:s29], $0x1  }
0xb7: {  	[sflag:s29] =	ssyncadd.s32 $0xFFFFFFFF  }
0xb8: {  	_ =	strace $0x90000048  }
0xb9: {  	_ =	sfence  }
0xba: {  	s30 =	sld [smem:$0x0];
	_ =	sdelay $0x2  }
0xbb: {  	s31 =	sshll.u32 s1, $0xD;
	s1 =	sshrl.u32 s1, $0x2  }
0xbc: {  	s3 =	sand.u32 $0x4000, s31;
	s1 =	sadd.s32 s1, s30  }
0xbd: {  	s0 =	sor.u32 s3, s0;
	s1 =	sshll.u32 s1, $0x11  }
0xbe: {  	s0 =	sor.u32 s1, s0  }
0xbf: {  	s0 =	sadd.s32 $0x8F2B, s0  }
0xc0: {  	[sflag:s0] =	ssyncadd.remote.s32 $0x1  }
0xc1: {  	_ =	sfence.sel $0xFFFF  }
0xc2: {  	[dreg:$0x0] =	wrdreg $0xFFFFFFFF;
	(pc) =	sbr.abs _section_cstart, $3  }
0xc3: {  	[dreg:$0x1] =	wrdreg $0xFFFFFFFF  }
0xc4: {  	_ =	task.clear_ibuf [dreg:s8], $0x2FFFF;
	_ =	strace $0x9FFFFFFF  }
0xc5: {  	(tm) =	ssettm $0x7FFFFFFF  }
tec
execute0_lowered:
.L_overlay_start_1:
0x0: {  	(tag) =	ssettag $0x1  }
0x1: {  	s0 =	rddreg [dreg:$0x0]  }
0x2: {  	s1 =	rddreg [dreg:$0x1]  }
0x3: {  	s4 =	rddreg [dreg:$0x2]  }
0x4: {  	s2 =	rddreg [dreg:$0x3];
	s3 =	simm.s32 $0x0  }
0x5: {  	s25 =	srdreg.scid;
	s16 =	stileid.u32;
	s28 =	simm.s32 $0x100  }
0x6: {  	s29 =	simm.s32 $0x180;
	s30 =	simm.s32 $0x50;
	s31 =	simm.s32 $0x3  }
0x7: {  	[smem:$0x7FF] =	sst s3;
	s5 =	sadd.s32 $0xCE00, s0;
	s8 =	sadd.s32 $0x3000, s0  }
0x8: {  	s6 =	sadd.s32 $0x16C00, s0;
	s11 =	sadd.s32 $0x17200, s0;
	s9 =	smul.u32 $0x4E000, s16  }
0x9: {  	s0 =	sadd.s32 $0x65400, s0;
	s12 =	sand.u32 $0x1, s25;
	s13 =	smul.u32 $0x13800, s16  }
0xa: {  	s18 =	sadd.s32 $0x138000, s2;
	s23 =	smul.u32 $0x2710, s16;
	p0 =	sne.s32 s16, $0x0  }
0xb: {  	_ =	strace $0x80000047;
	[dreg:$0x5] =	wrdreg s6;
	s6 =	ssub.s32 $0x2, s12  }
0xc: {  	s7 =	sshll.u32 s12, $0x4;
	[dreg:$0x6] =	wrdreg s18;
	s20 =	smul.u32 $0x27100, s12  }
0xd: {  	s10 =	sshrl.u32 s6, $0x1;
	s7 =	sor.u32 s16, s7;
	s15 =	sshrl.u32 s9, $0x2  }
0xe: {  	s17 =	sshrl.u32 s13, $0x3;
	s9 =	sadd.s32 $0x27000, s4;
	s26 =	smul.u32 $0x2710, s7  }
0xf: {  	s14 =	ssub.s32 s6, s10;
	s6 =	sadd.s32 s15, s2;
	s15 =	smul.u32 $0x138800, s12  }
0x10: {  	s7 =	sadd.s32 s4, s17;
	s24 =	smax.u32 s14, $0x1;
	s19 =	sshrl.u32 s26, $0x3  }
0x11: {  	s13 =	sadd.s32 s13, s15;
	s15 =	sshrl.u32 s15, $0x3;
	[dreg:$0xc] =	wrdreg s24  }
0x12: {  	s10 =	sadd.s32 s8, s19;
	s13 =	sshrl.u32 s13, $0x3;
	s21 =	sadd.s32 s5, s19  }
0x13: {  	s15 =	sadd.s32 $0x27000, s15;
	s17 =	sadd.s32 s0, s13;
	[dreg:$0x9] =	wrdreg s21  }
0x14: {  	s25 =	sadd.s32 $0xA, s19;
	s0 =	sadd.s32 s0, s15;
	[dreg:$0x7] =	wrdreg s17  }
0x15: {  	s4 =	sadd.s32 $0x14, s19;
	s22 =	sadd.s32 s11, s13;
	[dreg:$0x8] =	wrdreg s0  }
0x16: {  	s11 =	sadd.s32 s11, s15;
	s18 =	sadd.s32 s8, s4;
	[dreg:$0xa] =	wrdreg s22  }
0x17: {  	s4 =	sadd.s32 s5, s4;
	[dreg:$0xb] =	wrdreg s11;
	s17 =	sadd.s32 s8, s25  }
0x18: {  	s0 =	sadd.s32 s23, s20;
	s11 =	sadd.s32 s5, s25;
	[dreg:$0xe] =	wrdreg s4  }
0x19: {  	s25 =	simm.s32 $0x200;
	s4 =	simm.s32 $0x1;
	s12 =	sadd.s32 $0x140, s0  }
.Ltmp0:
0x1a: {  	s0 =	sadd.s32 $0xF0, s0;
	[dreg:$0xd] =	wrdreg s11;
	(pc) =	sbr.rel .LBB2_1-.Ltmp0, $4  }
0x1b: {  	s11 =	simm.s32 $0x2;
	s26 =	sshrl.u32 s12, $0x3;
	s0 =	sshrl.u32 s0, $0x3  }
0x1c: {  	s12 =	simm.s32 $0x0;
	s21 =	sadd.s32 s26, s8;
	s22 =	sadd.s32 s0, s8  }
0x1d: {  	s23 =	sadd.s32 s26, s5;
	s24 =	sadd.s32 s0, s5;
	s26 =	simm.s32 $0x5  }
0x1e: {  	s0 =	simm.s32 $0x4;
	s5 =	simm.s32 $0x80;
	s8 =	simm.s32 $0x2A00  }
.LBB2_11:
0x1f: {  	_ =	swait.ge [sflag:s11], $0x2800  }
0x20: {  	[sflag:s11] =	ssyncset.done $0x0  }
0x21: {  	[sflag:s11] =	ssyncadd.s32 $0xFFFFD800  }
0x22: {  	[spmem:s2] =	stream.indirect.scatter.add.f32 [tilespmem:s8], [sflag:$0x4], $0x80, s29, s30, $0xb8;
	[tilespmem:$0x18A80] =	vst v63  }
.LBB2_9:
0x23: {  	_ =	swait.ge [sflag:s31], $0x2800  }
0x24: {  	[sflag:s31] =	ssyncset.done $0x0  }
0x25: {  	[sflag:s31] =	ssyncadd.s32 $0xFFFFD800  }
0x26: {  	[bflag:$0x0] =	sbarrier.arrive $0xFFFF  }
0x27: {  	s16 =	rddreg [dreg:$0xa]  }
0x28: {  	[hbm:s16], [sflag:s13] =	dma.local [spmem:s14], $0x2700  }
0x29: {  	_ =	swait.ge [sflag:s26], $0x2700  }
0x2a: {  	[sflag:s26] =	ssyncset.done $0x0  }
0x2b: {  	s14 =	rddreg [dreg:$0xb];
	[sflag:s26] =	ssyncadd.s32 $0xFFFFD900  }
0x2c: {  	[hbm:s14], [sflag:s13] =	dma.local @!p0 [spmem:s15], $0x100  }
0x2d: {  	s13 =	simm.s32 @!p0 $0x5  }
0x2e: {  	_ =	swait.ge @!p0 [sflag:s13], $0x100  }
0x2f: {  	s12 =	sadd.s32 $0x1, s12;
	s20 =	rddreg [dreg:$0xc]  }
0x30: {  	p1 =	sne.s32 s12, s20  }
.Ltmp1:
0x31: {  	_ = 	snop;
	(pc) =	sbr.rel @!p1 .LBB2_10-.Ltmp1, $3  }
0x32: {  	_ =	sdelay $0x1  }
0x33: {  	[sflag:s13] =	ssyncset.done @!p0 $0x0  }
0x34: {  	[sflag:s13] =	ssyncadd.s32 @!p0 $0xFFFFFF00  }
.LBB2_1:
0x35: {  	s13 =	rddreg [dreg:$0x5]  }
0x36: {  	[tilespmem:s25], [sflag:$0x5] =	stream.linear.gather [hbm4b:s13+s3], $0x2800, $0x38;
	[tilespmem:$0x18A80] =	vst v63  }
0x37: {  	s16 =	stileid.u32;
	_ =	swait.ge [sflag:s26], $0x2800  }
0x38: {  	s13 =	sshll.u32 s16, $0x6;
	[sflag:s26] =	ssyncset.done $0x0  }
0x39: {  	s14 =	sshrl.u32 s6, $0x3;
	s13 =	sor.u32 $0x1C05, s13;
	[sflag:s26] =	ssyncadd.s32 $0xFFFFD800  }
0x3a: {  	[spmem:s14], [sflag:s13] =	dma.local [hbm:s7], $0x2700  }
0x3b: {  	_ =	swait.ge [sflag:s26], $0x2700  }
0x3c: {  	[sflag:s26] =	ssyncset.done $0x0;
	s15 =	rddreg [dreg:$0x6]  }
0x3d: {  	s16 =	simm.s32 @!p0 $0x5;
	[sflag:s26] =	ssyncadd.s32 $0xFFFFD900;
	s15 =	sshrl.u32 @!p0 s15, $0x3  }
0x3e: {  	[spmem:s15], [sflag:s13] =	dma.local @!p0 [hbm:s9], $0x100  }
0x3f: {  	_ =	swait.ge @!p0 [sflag:s16], $0x100  }
0x40: {  	[sflag:s16] =	ssyncset.done @!p0 $0x0  }
0x41: {  	[sflag:s16] =	ssyncadd.s32 @!p0 $0xFFFFFF00  }
0x42: {  	[bflag:$0x0] =	sbarrier.arrive $0xFFFF  }
0x43: {  	[tilespmem:s28], [sflag:$0x5] =	stream.linear.gather [hbm4b:s10+s3], $0x50, $0x38;
	[tilespmem:$0x18A80] =	vst v63  }
0x44: {  	_ =	swait.ge [sflag:s26], $0x50  }
0x45: {  	[sflag:s26] =	ssyncset.done $0x0  }
0x46: {  	[sflag:s26] =	ssyncadd.s32 $0xFFFFFFB0  }
0x47: {  	[tilespmem:s29], [sflag:$0x5] =	stream.linear.gather [hbm4b:s17+s3], $0x50, $0x38;
	[tilespmem:$0x18A80] =	vst v63  }
0x48: {  	_ =	swait.ge [sflag:s26], $0x50  }
0x49: {  	[sflag:s26] =	ssyncset.done $0x0  }
0x4a: {  	[sflag:s26] =	ssyncadd.s32 $0xFFFFFFB0  }
0x4b: {  	[spmem:s2] =	stream.indirect.scatter.add.f32 [tilespmem:s25], [sflag:$0x3], $0x80, s28, s30, $0xb8;
	[tilespmem:$0x18A80] =	vst v63  }
0x4c: {  	_ =	swait.ge [sflag:s31], $0x2800  }
0x4d: {  	[sflag:s31] =	ssyncset.done $0x0  }
0x4e: {  	[sflag:s31] =	ssyncadd.s32 $0xFFFFD800  }
0x4f: {  	[tilespmem:s28], [sflag:$0x5] =	stream.linear.gather [hbm4b:s18+s3], $0x50, $0x38;
	[tilespmem:$0x18A80] =	vst v63  }
0x50: {  	_ =	swait.ge [sflag:s26], $0x50  }
0x51: {  	[sflag:s26] =	ssyncset.done $0x0  }
0x52: {  	[sflag:s26] =	ssyncadd.s32 $0xFFFFFFB0  }
0x53: {  	[spmem:s2] =	stream.indirect.scatter.add.f32 [tilespmem:s25], [sflag:$0x4], $0x80, s29, s30, $0xb8;
	[tilespmem:$0x18A80] =	vst v63  }
0x54: {  	_ =	swait.ge [sflag:s0], $0x2800  }
0x55: {  	[sflag:s0] =	ssyncset.done $0x0  }
0x56: {  	s19 =	sadd.s32 $0x0, s22;
	[sflag:s0] =	ssyncadd.s32 $0xFFFFD800  }
0x57: {  	[tilespmem:s29], [sflag:$0x5] =	stream.linear.gather [hbm4b:s19+s3], $0x50, $0x38;
	[tilespmem:$0x18A80] =	vst v63  }
0x58: {  	_ =	swait.ge [sflag:s26], $0x50  }
0x59: {  	[sflag:s26] =	ssyncset.done $0x0  }
0x5a: {  	[sflag:s26] =	ssyncadd.s32 $0xFFFFFFB0  }
0x5b: {  	[spmem:s2] =	stream.indirect.scatter.add.f32 [tilespmem:s25], [sflag:$0x3], $0x80, s28, s30, $0xb8;
	[tilespmem:$0x18A80] =	vst v63  }
0x5c: {  	_ =	swait.ge [sflag:s31], $0x2800  }
0x5d: {  	[sflag:s31] =	ssyncset.done $0x0  }
0x5e: {  	s20 =	sadd.s32 $0x0, s21;
	[sflag:s31] =	ssyncadd.s32 $0xFFFFD800  }
0x5f: {  	[tilespmem:s28], [sflag:$0x5] =	stream.linear.gather [hbm4b:s20+s3], $0x50, $0x38;
	[tilespmem:$0x18A80] =	vst v63  }
0x60: {  	_ =	swait.ge [sflag:s26], $0x50  }
0x61: {  	[sflag:s26] =	ssyncset.done $0x0  }
0x62: {  	s16 =	simm.s32 $0x14;
	[sflag:s26] =	ssyncadd.s32 $0xFFFFFFB0  }
.LBB2_2:
0x63: {  	[spmem:s2] =	stream.indirect.scatter.add.f32 [tilespmem:s25], [sflag:$0x4], $0x80, s29, s30, $0xb8;
	[tilespmem:$0x18A80] =	vst v63  }
0x64: {  	s19 =	smov.u32 s16  }
0x65: {  	p1 =	sne.s32 s16, $0x4B0;
	s16 =	sadd.s32 $0x14, s16;
	_ =	swait.ge [sflag:s0], $0x2800  }
0x66: {  	[sflag:s0] =	ssyncset.done $0x0  }
0x67: {  	s20 =	sadd.s32 s19, s22;
	[sflag:s0] =	ssyncadd.s32 $0xFFFFD800  }
0x68: {  	[tilespmem:s29], [sflag:$0x5] =	stream.linear.gather [hbm4b:s20+s3], $0x50, $0x38;
	[tilespmem:$0x18A80] =	vst v63  }
0x69: {  	_ =	swait.ge [sflag:s26], $0x50  }
0x6a: {  	[sflag:s26] =	ssyncset.done $0x0  }
0x6b: {  	[sflag:s26] =	ssyncadd.s32 $0xFFFFFFB0  }
0x6c: {  	[spmem:s2] =	stream.indirect.scatter.add.f32 [tilespmem:s25], [sflag:$0x3], $0x80, s28, s30, $0xb8;
	[tilespmem:$0x18A80] =	vst v63  }
0x6d: {  	_ =	swait.ge [sflag:s31], $0x2800  }
0x6e: {  	[sflag:s31] =	ssyncset.done $0x0  }
.Ltmp2:
0x6f: {  	s19 =	sadd.s32 s19, s21;
	[sflag:s31] =	ssyncadd.s32 $0xFFFFD800;
	(pc) =	sbr.rel @p1 .LBB2_2-.Ltmp2, $4  }
0x70: {  	[tilespmem:s28], [sflag:$0x5] =	stream.linear.gather [hbm4b:s19+s3], $0x50, $0x38;
	[tilespmem:$0x18A80] =	vst v63  }
0x71: {  	_ =	swait.ge [sflag:s26], $0x50  }
0x72: {  	[sflag:s26] =	ssyncset.done $0x0  }
0x73: {  	[sflag:s26] =	ssyncadd.s32 $0xFFFFFFB0  }
0x74: {  	[spmem:s2] =	stream.indirect.scatter.add.f32 [tilespmem:s25], [sflag:$0x4], $0x80, s29, s30, $0xb8;
	[tilespmem:$0x18A80] =	vst v63  }
0x75: {  	_ =	swait.ge [sflag:s0], $0x2800  }
0x76: {  	[sflag:s0] =	ssyncset.done $0x0  }
0x77: {  	[sflag:s0] =	ssyncadd.s32 $0xFFFFD800  }
0x78: {  	[spmem:s2] =	stream.indirect.scatter.add.f32 [tilespmem:s25], [sflag:$0x3], $0x80, s28, s30, $0xb8;
	[tilespmem:$0x18A80] =	vst v63  }
0x79: {  	_ =	swait.ge [sflag:s31], $0x2800  }
0x7a: {  	[sflag:s31] =	ssyncset.done $0x0  }
0x7b: {  	[sflag:s31] =	ssyncadd.s32 $0xFFFFD800  }
0x7c: {  	[bflag:$0x0] =	sbarrier.arrive $0xFFFF  }
0x7d: {  	s16 =	rddreg [dreg:$0x7]  }
0x7e: {  	[hbm:s16], [sflag:s13] =	dma.local [spmem:s14], $0x2700  }
0x7f: {  	_ =	swait.ge [sflag:s26], $0x2700  }
0x80: {  	[sflag:s26] =	ssyncset.done $0x0  }
0x81: {  	[sflag:s26] =	ssyncadd.s32 $0xFFFFD900  }
0x82: {  	s16 =	sshrl.u32 @p0 s6, $0x3;
	[bflag:$0x0] =	sbarrier.arrive @p0 $0xFFFF  }
0x83: {  	[spmem:s16], [sflag:s13] =	dma.local @p0 [hbm:s7], $0x2700  }
0x84: {  	s16 =	simm.s32 @p0 $0x5  }
0x85: {  	_ =	swait.ge @p0 [sflag:s16], $0x2700  }
0x86: {  	[sflag:s16] =	ssyncset.done @p0 $0x0  }
0x87: {  	[sflag:s16] =	ssyncadd.s32 @p0 $0xFFFFD900;
	s16 =	rddreg [dreg:$0x8]  }
0x88: {  	[hbm:s16], [sflag:s13] =	dma.local @!p0 [spmem:s15], $0x100  }
0x89: {  	s16 =	simm.s32 @!p0 $0x5  }
0x8a: {  	_ =	swait.ge @!p0 [sflag:s16], $0x100  }
0x8b: {  	[sflag:s16] =	ssyncset.done @!p0 $0x0  }
0x8c: {  	[sflag:s16] =	ssyncadd.s32 @!p0 $0xFFFFFF00  }
0x8d: {  	s19 =	sshrl.u32 @!p0 s6, $0x3;
	[bflag:$0x0] =	sbarrier.arrive @!p0 $0xFFFF  }
0x8e: {  	[spmem:s19], [sflag:s13] =	dma.local @!p0 [hbm:s7], $0x2700  }
0x8f: {  	_ =	swait.ge @!p0 [sflag:s16], $0x2700  }
0x90: {  	[sflag:s16] =	ssyncset.done @!p0 $0x0  }
0x91: {  	[sflag:s16] =	ssyncadd.s32 @!p0 $0xFFFFD900  }
0x92: {  	[spmem:s15], [sflag:s13] =	dma.local @!p0 [hbm:s9], $0x100  }
0x93: {  	_ =	swait.ge @!p0 [sflag:s16], $0x100  }
0x94: {  	[sflag:s16] =	ssyncset.done @!p0 $0x0  }
0x95: {  	[sflag:s16] =	ssyncadd.s32 @!p0 $0xFFFFFF00  }
0x96: {  	[bflag:$0x0] =	sbarrier.arrive $0xFFFF  }
0x97: {  	s16 =	simm.s32 $0x0;
	s20 =	rddreg [dreg:$0x9]  }
0x98: {  	[tilespmem:s16], [sflag:$0x5] =	stream.linear.gather [hbm4b:s20+s16], $0x50, $0x38;
	[tilespmem:$0x18A80] =	vst v63  }
0x99: {  	_ =	swait.ge [sflag:s26], $0x50  }
0x9a: {  	[sflag:s26] =	ssyncset.done $0x0  }
0x9b: {  	[sflag:s26] =	ssyncadd.s32 $0xFFFFFFB0  }
0x9c: {  	[tilespmem:s28], [sflag:$0x5] =	stream.linear.gather [hbm4b:s10+s16], $0x50, $0x38;
	[tilespmem:$0x18A80] =	vst v63  }
0x9d: {  	_ =	swait.ge [sflag:s26], $0x50  }
0x9e: {  	[sflag:s26] =	ssyncset.done $0x0  }
0x9f: {  	[sflag:s26] =	ssyncadd.s32 $0xFFFFFFB0  }
0xa0: {  	[tilespmem:s25], [sflag:$0x1] =	stream.indirect.gather [hbm4b:s1+s30], $0x80, s16, s30, $0xb8;
	[tilespmem:$0x18A80] =	vst v63  }
0xa1: {  	s20 =	rddreg [dreg:$0xd]  }
0xa2: {  	[tilespmem:s5], [sflag:$0x5] =	stream.linear.gather [hbm4b:s20+s16], $0x50, $0x38;
	[tilespmem:$0x18A80] =	vst v63  }
0xa3: {  	_ =	swait.ge [sflag:s26], $0x50  }
0xa4: {  	[sflag:s26] =	ssyncset.done $0x0  }
0xa5: {  	[sflag:s26] =	ssyncadd.s32 $0xFFFFFFB0  }
0xa6: {  	[tilespmem:s29], [sflag:$0x5] =	stream.linear.gather [hbm4b:s17+s16], $0x50, $0x38;
	[tilespmem:$0x18A80] =	vst v63  }
0xa7: {  	_ =	swait.ge [sflag:s26], $0x50  }
0xa8: {  	[sflag:s26] =	ssyncset.done $0x0  }
0xa9: {  	[sflag:s26] =	ssyncadd.s32 $0xFFFFFFB0  }
0xaa: {  	_ =	swait.ge [sflag:s4], $0x2800  }
0xab: {  	[sflag:s4] =	ssyncset.done $0x0  }
0xac: {  	[sflag:s4] =	ssyncadd.s32 $0xFFFFD800  }
0xad: {  	[spmem:s2] =	stream.indirect.scatter.add.f32 [tilespmem:s25], [sflag:$0x3], $0x80, s28, s30, $0xb8;
	[tilespmem:$0x18A80] =	vst v63  }
0xae: {  	s19 =	simm.s32 $0x3  }
0xaf: {  	[tilespmem:s8], [sflag:$0x2] =	stream.indirect.gather [hbm4b:s1+s30], $0x80, s5, s30, $0xb8;
	[tilespmem:$0x18A80] =	vst v63  }
0xb0: {  	_ =	swait.ge [sflag:s19], $0x2800  }
0xb1: {  	[sflag:s19] =	ssyncset.done $0x0  }
0xb2: {  	s20 =	rddreg [dreg:$0xe];
	[sflag:s19] =	ssyncadd.s32 $0xFFFFD800  }
0xb3: {  	[tilespmem:s16], [sflag:$0x5] =	stream.linear.gather [hbm4b:s20+s16], $0x50, $0x38;
	[tilespmem:$0x18A80] =	vst v63  }
0xb4: {  	_ =	swait.ge [sflag:s26], $0x50  }
0xb5: {  	[sflag:s26] =	ssyncset.done $0x0  }
0xb6: {  	[sflag:s26] =	ssyncadd.s32 $0xFFFFFFB0  }
0xb7: {  	[tilespmem:s28], [sflag:$0x5] =	stream.linear.gather [hbm4b:s18+s16], $0x50, $0x38;
	[tilespmem:$0x18A80] =	vst v63  }
0xb8: {  	_ =	swait.ge [sflag:s26], $0x50  }
0xb9: {  	[sflag:s26] =	ssyncset.done $0x0  }
0xba: {  	[sflag:s26] =	ssyncadd.s32 $0xFFFFFFB0  }
0xbb: {  	_ =	swait.ge [sflag:s11], $0x2800  }
.Ltmp3:
0xbc: {  	[sflag:s11] =	ssyncset.done $0x0;
	(pc) =	sbr.rel .LBB2_4-.Ltmp3, $4  }
0xbd: {  	[sflag:s11] =	ssyncadd.s32 $0xFFFFD800  }
0xbe: {  	[spmem:s2] =	stream.indirect.scatter.add.f32 [tilespmem:s8], [sflag:$0x4], $0x80, s29, s30, $0xb8;
	[tilespmem:$0x18A80] =	vst v63  }
0xbf: {  	_ = 	snop  }
0xc0: {  	[tilespmem:s25], [sflag:$0x1] =	stream.indirect.gather [hbm4b:s1+s30], $0x80, s16, s30, $0xb8;
	[tilespmem:$0x18A80] =	vst v63  }
.LBB2_5:
0xc1: {  	_ =	swait.ge [sflag:s4], $0x2800  }
0xc2: {  	[sflag:s4] =	ssyncset.done $0x0  }
0xc3: {  	[sflag:s4] =	ssyncadd.s32 $0xFFFFD800  }
0xc4: {  	[spmem:s2] =	stream.indirect.scatter.add.f32 [tilespmem:s25], [sflag:$0x3], $0x80, s28, s30, $0xb8;
	[tilespmem:$0x18A80] =	vst v63  }
.LBB2_8:
0xc5: {  	s16 =	sadd.s32 $0x14, s16  }
0xc6: {  	p1 =	sne.s32 s16, $0x4D8  }
.Ltmp4:
0xc7: {  	_ = 	snop;
	(pc) =	sbr.rel @!p1 .LBB2_9-.Ltmp4, $2  }
0xc8: {  	_ =	sdelay $0x2  }
0xc9: {  	s19 =	sadd.s32 $0x2, s19  }
.LBB2_4:
0xca: {  	p1 =	slt.u32 s19, $0x7D  }
.Ltmp5:
0xcb: {  	_ = 	snop;
	(pc) =	sbr.rel @!p1 .LBB2_5-.Ltmp5, $4  }
0xcc: {  	_ = 	snop  }
0xcd: {  	_ =	swait.ge [sflag:s0], $0x2800  }
0xce: {  	[sflag:s0] =	ssyncset.done $0x0  }
0xcf: {  	[sflag:s0] =	ssyncadd.s32 $0xFFFFD800  }
0xd0: {  	s20 =	sadd.s32 s16, s24  }
0xd1: {  	[tilespmem:s5], [sflag:$0x5] =	stream.linear.gather [hbm4b:s20+s3], $0x50, $0x38;
	[tilespmem:$0x18A80] =	vst v63  }
0xd2: {  	_ =	swait.ge [sflag:s26], $0x50  }
0xd3: {  	[sflag:s26] =	ssyncset.done $0x0  }
0xd4: {  	s20 =	sadd.s32 s16, s22;
	[sflag:s26] =	ssyncadd.s32 $0xFFFFFFB0  }
0xd5: {  	[tilespmem:s29], [sflag:$0x5] =	stream.linear.gather [hbm4b:s20+s3], $0x50, $0x38;
	[tilespmem:$0x18A80] =	vst v63  }
0xd6: {  	_ =	swait.ge [sflag:s26], $0x50  }
0xd7: {  	[sflag:s26] =	ssyncset.done $0x0  }
0xd8: {  	[sflag:s26] =	ssyncadd.s32 $0xFFFFFFB0  }
0xd9: {  	_ =	swait.ge [sflag:s4], $0x2800  }
0xda: {  	[sflag:s4] =	ssyncset.done $0x0  }
0xdb: {  	p1 =	seq.s32 s16, $0x4C4;
	[sflag:s4] =	ssyncadd.s32 $0xFFFFD800  }
0xdc: {  	[spmem:s2] =	stream.indirect.scatter.add.f32 [tilespmem:s25], [sflag:$0x3], $0x80, s28, s30, $0xb8;
	[tilespmem:$0x18A80] =	vst v63  }
.Ltmp6:
0xdd: {  	_ = 	snop;
	(pc) =	sbr.rel @p1 .LBB2_11-.Ltmp6, $4  }
0xde: {  	[tilespmem:s8], [sflag:$0x2] =	stream.indirect.gather [hbm4b:s1+s30], $0x80, s5, s30, $0xb8;
	[tilespmem:$0x18A80] =	vst v63  }
0xdf: {  	_ =	swait.ge [sflag:s31], $0x2800  }
0xe0: {  	[sflag:s31] =	ssyncset.done $0x0  }
0xe1: {  	[sflag:s31] =	ssyncadd.s32 $0xFFFFD800  }
0xe2: {  	s20 =	sadd.s32 s16, s23  }
0xe3: {  	[tilespmem:s3], [sflag:$0x5] =	stream.linear.gather [hbm4b:s20+s3], $0x50, $0x38;
	[tilespmem:$0x18A80] =	vst v63  }
0xe4: {  	_ =	swait.ge [sflag:s26], $0x50  }
0xe5: {  	[sflag:s26] =	ssyncset.done $0x0  }
0xe6: {  	s20 =	sadd.s32 s16, s21;
	[sflag:s26] =	ssyncadd.s32 $0xFFFFFFB0  }
0xe7: {  	[tilespmem:s28], [sflag:$0x5] =	stream.linear.gather [hbm4b:s20+s3], $0x50, $0x38;
	[tilespmem:$0x18A80] =	vst v63  }
0xe8: {  	_ =	swait.ge [sflag:s26], $0x50  }
0xe9: {  	[sflag:s26] =	ssyncset.done $0x0  }
0xea: {  	[sflag:s26] =	ssyncadd.s32 $0xFFFFFFB0  }
0xeb: {  	_ =	swait.ge [sflag:s11], $0x2800  }
.Ltmp7:
0xec: {  	[sflag:s11] =	ssyncset.done $0x0;
	(pc) =	sbr.rel .LBB2_8-.Ltmp7, $4  }
0xed: {  	[sflag:s11] =	ssyncadd.s32 $0xFFFFD800  }
0xee: {  	[spmem:s2] =	stream.indirect.scatter.add.f32 [tilespmem:s8], [sflag:$0x4], $0x80, s29, s30, $0xb8;
	[tilespmem:$0x18A80] =	vst v63  }
0xef: {  	_ = 	snop  }
0xf0: {  	[tilespmem:s25], [sflag:$0x1] =	stream.indirect.gather [hbm4b:s1+s30], $0x80, s3, s30, $0xb8;
	[tilespmem:$0x18A80] =	vst v63  }
.LBB2_10:
0xf1: {  	_ =	sfence.sel $0x180000  }
0xf2: {  	[bflag:$0x0] =	sbarrier.arrive $0xFFFF  }
0xf3: {  	_ =	strace $0x90000047  }
0xf4: {  	[bflag:$0x2] =	sbarrier.arrive $0xFFFF  }
0xf5: {  	s0 =	rddreg [dreg:$0x4]  }
0xf6: {  	s0 =	sadd.s32 @!p0 $0x100000, s0  }
0xf7: {  	[sflag:s0] =	ssyncadd.tile.s32 @!p0 $0x1;
	_ =	shalt  }
.Lfunc_end2:
_tile_overlayer_lowered:
.L_overlay_start_2:
0xf8: {  	(tag) =	ssettag $0x2  }
0xf9: {  	s0 =	rddreg [dreg:$0x0];
	s2 =	stileid.u32  }
0xfa: {  	s1 =	rddreg [dreg:$0x1];
	p0 =	sne.s32 s2, $0x0  }
0xfb: {  	s3 =	rddreg [dreg:$0x2];
	[bflag:$0x3] =	sbarrier.arrive $0xFFFF;
	s2 =	simm.s32 @!p0 $0x1C05  }
0xfc: {  	[timem:s3], [sflag:s2] =	dma.local @!p0 [hbm:s0], s1  }
0xfd: {  	s0 =	simm.s32 @!p0 $0x5  }
0xfe: {  	_ =	swait.ge @!p0 [sflag:s0], s1  }
0xff: {  	s1 =	ssub.s32 @!p0 $0x0, s1;
	[sflag:s0] =	ssyncset.done @!p0 $0x0  }
0x100: {  	[sflag:s0] =	ssyncadd.s32 @!p0 s1  }
0x101: {  	[bflag:$0x3] =	sbarrier.arrive $0xFFFF  }
0x102: {  	_ =	shalt  }

</sc_bundles>
